<compile_context>
chip_gen: v7x
topology: tpu7x:2x2x1
jax: 0.10.2.dev20260603
libtpu: 0.0.44.dev20260713+nightly
codegen_flags: <defaults>
</compile_context>

<pallas_src>
import functools

import jax
import jax.numpy as jnp
from jax import lax
from jax.experimental import pallas as pl
from jax.experimental.pallas import tpu as pltpu
from jax.experimental.pallas import tpu_sc as plsc

_B, _S, _V, _D = 1024, 200, 100000, 128
_N = _B * _S
_NC, _NS, _L = 2, 16, 16
_NW = _NC * _NS
_PER_W = _N // _NW
_T = 128
_NCHUNK = _PER_W // _T
_KAPPA = 5.0


def _rsqrt16(s):
    i = plsc.bitcast(s, jnp.int32)
    i = jnp.int32(0x5F3759DF) - (i >> 1)
    y = plsc.bitcast(i, jnp.float32)
    for _ in range(3):
        y = y * (jnp.float32(1.5) - jnp.float32(0.5) * s * y * y)
    return y


def _sc_cosine_partials(table, orig_idx, pert_idx):
    mesh = plsc.VectorSubcoreMesh(core_axis_name="c", subcore_axis_name="s")

    @functools.partial(
        pl.kernel,
        mesh=mesh,
        out_type=jax.ShapeDtypeStruct((_NW * _L,), jnp.float32),
        compiler_params=pltpu.CompilerParams(needs_layout_passes=False),
        scratch_types=[
            pltpu.VMEM((_T,), jnp.int32),
            pltpu.VMEM((_T,), jnp.int32),
            pltpu.VMEM((_T, _D), jnp.float32),
            pltpu.VMEM((_T, _D), jnp.float32),
            pltpu.VMEM((_T,), jnp.float32),
            pltpu.VMEM((_T,), jnp.float32),
            pltpu.VMEM((_T,), jnp.float32),
            pltpu.VMEM((_L,), jnp.float32),
            pltpu.SemaphoreType.DMA,
            pltpu.SemaphoreType.DMA,
        ],
    )
    def sc_kernel(table_hbm, oidx_hbm, pidx_hbm, out_hbm,
                  idx_o, idx_p, o_rows, p_rows, dot_b, no2_b, np2_b,
                  acc_b, sem0, sem1):
        wid = lax.axis_index("s") * _NC + lax.axis_index("c")
        base = wid * _PER_W
        lanes = lax.iota(jnp.int32, _L)
        last = lanes == (_L - 1)

        def chunk(c, acc):
            off = base + c * _T
            pltpu.sync_copy(oidx_hbm.at[pl.ds(off, _T)], idx_o)
            pltpu.sync_copy(pidx_hbm.at[pl.ds(off, _T)], idx_p)
            cp0 = pltpu.async_copy(table_hbm.at[idx_o], o_rows, sem0)
            cp1 = pltpu.async_copy(table_hbm.at[idx_p], p_rows, sem1)
            cp0.wait()
            cp1.wait()

            def tok(t, carry):
                accd = acco = accp = None
                for g in range(_D // _L):
                    o = o_rows[t, pl.ds(g * _L, _L)]
                    p = p_rows[t, pl.ds(g * _L, _L)]
                    if g == 0:
                        accd, acco, accp = o * p, o * o, p * p
                    else:
                        accd = accd + o * p
                        acco = acco + o * o
                        accp = accp + p * p
                tt = jnp.full((_L,), t, dtype=jnp.int32)
                plsc.store_scatter(dot_b, [tt], plsc.cumsum(accd), mask=last)
                plsc.store_scatter(no2_b, [tt], plsc.cumsum(acco), mask=last)
                plsc.store_scatter(np2_b, [tt], plsc.cumsum(accp), mask=last)
                return carry

            lax.fori_loop(0, _T, tok, 0)

            for j in range(_T // _L):
                dv = dot_b[pl.ds(j * _L, _L)]
                ov = no2_b[pl.ds(j * _L, _L)]
                pv = np2_b[pl.ds(j * _L, _L)]
                acc = acc + dv * _rsqrt16(ov * pv)
            return acc

        acc = lax.fori_loop(0, _NCHUNK, chunk, jnp.zeros((_L,), jnp.float32))
        acc_b[...] = acc
        pltpu.sync_copy(acc_b, out_hbm.at[pl.ds(wid * _L, _L)])

    return sc_kernel(table, orig_idx, pert_idx)


def _tc_combine(pred, lab, syn, sc_part):
    def body(pred_ref, lab_ref, syn_ref, sc_ref, out_ref):
        p = pred_ref[...]
        l = lab_ref[...]
        take1 = l[:, 1:2] > l[:, 0:1]
        correct = jnp.where(take1, p[:, 1:2], p[:, 0:1])
        incorrect = jnp.where(take1, p[:, 0:1], p[:, 1:2])
        adv = jnp.sum(jnp.maximum(correct - incorrect + _KAPPA, 0.0)) / _B

        cos = jnp.sum(sc_ref[...]) / _N

        syn_mean = jnp.sum(syn_ref[...]) / _B
        synl = (syn_mean - 50.0) * (syn_mean - 50.0) + 1.0

        loss = adv - cos + synl
        col = lax.broadcasted_iota(jnp.int32, (8, 128), 1)
        out_ref[...] = jnp.where(
            col == 0, loss,
            jnp.where(col == 1, adv,
                      jnp.where(col == 2, cos,
                                jnp.where(col == 3, synl, 0.0))))

    return pl.pallas_call(
        body,
        out_shape=jax.ShapeDtypeStruct((8, 128), jnp.float32),
    )(pred, lab, syn, sc_part)


def kernel(synonym_outputs, predictions, labels, original_sentence,
           perturbed_sentence, embedding_table):
    oidx = original_sentence.reshape(-1)
    pidx = perturbed_sentence.reshape(-1)
    sc_part = _sc_cosine_partials(embedding_table, oidx, pidx)
    out = _tc_combine(predictions, labels, synonym_outputs,
                      sc_part.reshape(4, 128))
    return (out[0, 0], out[0, 1], out[0, 2], out[0, 3])

# --- scband reference (transcript-rebuilt; emitter-appended) ---
"""Pipeline reference for scband-adversarial-loss-27642409517643 (READ-ONLY COPY).

The authoritative reference and input builder live on the scoring server;
editing this copy changes nothing except your own understanding.
"""

import jax, jax.numpy as jnp
import numpy as np


def setup_inputs(seed: int = 0) -> dict:
    key = jax.random.key(seed)
    k1, k2, k3, k4, k5, k6 = jax.random.split(key, 6)
    B, S, V, D, C = 1024, 200, 100000, 128, 2
    return {
        "synonym_outputs": jax.random.uniform(k1, (B, S), dtype=jnp.float32),
        "predictions": jax.random.normal(k2, (B, C), dtype=jnp.float32),
        "labels": jax.random.uniform(k3, (B, C), dtype=jnp.float32),
        "original_sentence": jax.random.randint(k4, (B, S), 0, V, dtype=jnp.int32),
        "perturbed_sentence": jax.random.randint(k5, (B, S), 0, V, dtype=jnp.int32),
        "embedding_table": jax.random.normal(k6, (V, D), dtype=jnp.float32),
    }


def reference(synonym_outputs, predictions, labels, original_sentence, perturbed_sentence, embedding_table):
    kappa = 5.0
    adversarial_coeff, cosine_similarity_coeff, sum_coeff = 1.0, 1.0, 1.0

    # adversarial_loss
    B = predictions.shape[0]
    rows = jnp.arange(B)
    label_indices = jnp.argmax(labels, axis=1)
    correct_probabilities = predictions[rows, label_indices]
    incorrect_probabilities = predictions.at[rows, label_indices].set(-jnp.inf)
    max_incorrect_prob = jnp.max(incorrect_probabilities, axis=1)
    adv_loss = jnp.mean(jnp.clip(correct_probabilities - max_incorrect_prob + kappa, 0.0)) * adversarial_coeff

    # cosine_similarity (model.embedding replaced by embedding_table lookup)
    original_embeds = jnp.take(embedding_table, original_sentence, axis=0)
    perturbed_embeds = jnp.take(embedding_table, perturbed_sentence, axis=0)
    original_norms = jnp.linalg.norm(original_embeds, axis=-1)
    perturbed_norms = jnp.linalg.norm(perturbed_embeds, axis=-1)
    similarities = jnp.einsum('ijk,ijk->ij', original_embeds, perturbed_embeds)
    cosine_similarities = similarities / (original_norms * perturbed_norms)
    cosine_similarity_loss = jnp.mean(cosine_similarities) * cosine_similarity_coeff

    # synonym_output_sum_loss
    x = jnp.sum(synonym_outputs, axis=1)
    synonym_output_loss = ((jnp.mean(x) - 50.0) ** 2 + 1.0) * sum_coeff

    loss = adv_loss - cosine_similarity_loss + synonym_output_loss
    return (loss, adv_loss, cosine_similarity_loss, synonym_output_loss)

if __name__ == "__main__":
    import jax
    _d = setup_inputs()
    print(jax.jit(kernel)(*tuple(_d.values())))

</pallas_src>

<mosaic_0001>
#map = affine_map<(d0, d1) -> (0, 0)>
#map1 = affine_map<(d0, d1) -> (0)>
module attributes {stable_mosaic.version = 14 : i64} {
  func.func @sc_kernel(%arg0: i32, %arg1: i32, %arg2: memref<100000x128xf32, #tpu.memory_space<hbm>>, %arg3: memref<204800xi32, #tpu.memory_space<hbm>>, %arg4: memref<204800xi32, #tpu.memory_space<hbm>>, %arg5: memref<512xf32, #tpu.memory_space<hbm>>, %arg6: memref<128xi32, #tpu.memory_space<vmem>>, %arg7: memref<128xi32, #tpu.memory_space<vmem>>, %arg8: memref<128x128xf32, #tpu.memory_space<vmem>>, %arg9: memref<128x128xf32, #tpu.memory_space<vmem>>, %arg10: memref<128xf32, #tpu.memory_space<vmem>>, %arg11: memref<128xf32, #tpu.memory_space<vmem>>, %arg12: memref<128xf32, #tpu.memory_space<vmem>>, %arg13: memref<16xf32, #tpu.memory_space<vmem>>, %arg14: memref<!tpu.dma_semaphore, #tpu.memory_space<semaphore_mem>>, %arg15: memref<!tpu.dma_semaphore, #tpu.memory_space<semaphore_mem>>) attributes {dimension_semantics = [#tpu.dimension_semantics<core_parallel>, #tpu.dimension_semantics<subcore_parallel>], iteration_bounds = array<i64: 2, 16>, scalar_prefetch = 0 : i64, scratch_operands = 10 : i64, tpu.core_type = #tpu.core_type<sc_vector_subcore>, window_params = [{transform_indices = #map}, {transform_indices = #map1}, {transform_indices = #map1}, {transform_indices = #map1}]} {
    %mul3A = arith.constant 2 : i32
    %mul3A_0 = arith.muli %arg1, %mul3A : i32
    %add3A = arith.addi %mul3A_0, %arg0 : i32
    %mul3A_1 = arith.constant 6400 : i32
    %mul3A_2 = arith.muli %add3A, %mul3A_1 : i32
    %iota3A = tpu.iota {dimensions = array<i32: 0>} : vector<16xi32>
    %eq3A = arith.constant 15 : i32
    %eq3A_3 = vector.broadcast %eq3A : i32 to vector<16xi32>
    %eq3A_4 = arith.cmpi eq, %iota3A, %eq3A_3 : vector<16xi32>
    %broadcast_in_dim3A = arith.constant 0.000000e+00 : f32
    %broadcast_in_dim3A_5 = vector.broadcast %broadcast_in_dim3A : f32 to vector<16xf32>
    %scan3A = arith.constant 0 : i32
    %scan3A_6 = arith.constant 50 : i32
    %scan3A_7 = arith.addi %scan3A, %scan3A_6 : i32
    %scan3A_8 = arith.constant 1 : i32
    %scan3A_9 = scf.for %scan3A_14 = %scan3A to %scan3A_7 step %scan3A_8 iter_args(%scan3A_15 = %broadcast_in_dim3A_5) -> (vector<16xf32>)  : i32 {
      %mul3A_16 = arith.constant 128 : i32
      %mul3A_17 = arith.muli %scan3A_14, %mul3A_16 : i32
      %add3A_18 = arith.addi %mul3A_2, %mul3A_17 : i32
      "tpu.region"() ({
        %run_scoped3A = tpu.sem_alloc : memref<!tpu.dma_semaphore, #tpu.memory_space<semaphore_mem>>
        %dma_start3A_383 = tpu.memref_slice %arg3[%add3A_18] : memref<204800xi32, #tpu.memory_space<hbm>> -> memref<128xi32, #tpu.memory_space<hbm>>
        %dma_start3A_384 = tpu.memref_slice %arg3[%add3A_18] : memref<204800xi32, #tpu.memory_space<hbm>> -> memref<128xi32, #tpu.memory_space<hbm>>
        tpu.enqueue_dma source(%dma_start3A_384 : memref<128xi32, #tpu.memory_space<hbm>>) target(%arg6 : memref<128xi32, #tpu.memory_space<vmem>>) target_semaphore(%run_scoped3A : memref<!tpu.dma_semaphore, #tpu.memory_space<semaphore_mem>>)
        %dma_wait3A_385 = tpu.memref_slice %arg3[%add3A_18] : memref<204800xi32, #tpu.memory_space<hbm>> -> memref<128xi32, #tpu.memory_space<hbm>>
        %dma_wait3A_386 = tpu.memref_slice %arg3[%add3A_18] : memref<204800xi32, #tpu.memory_space<hbm>> -> memref<128xi32, #tpu.memory_space<hbm>>
        tpu.wait_dma2 semaphore(%run_scoped3A : memref<!tpu.dma_semaphore, #tpu.memory_space<semaphore_mem>>) src(%dma_wait3A_386 : memref<128xi32, #tpu.memory_space<hbm>>) dst(%arg6 : memref<128xi32, #tpu.memory_space<vmem>>)
        tpu.yield
      }) : () -> ()
      "tpu.region"() ({
        %run_scoped3A = tpu.sem_alloc : memref<!tpu.dma_semaphore, #tpu.memory_space<semaphore_mem>>
        %dma_start3A_383 = tpu.memref_slice %arg4[%add3A_18] : memref<204800xi32, #tpu.memory_space<hbm>> -> memref<128xi32, #tpu.memory_space<hbm>>
        %dma_start3A_384 = tpu.memref_slice %arg4[%add3A_18] : memref<204800xi32, #tpu.memory_space<hbm>> -> memref<128xi32, #tpu.memory_space<hbm>>
        tpu.enqueue_dma source(%dma_start3A_384 : memref<128xi32, #tpu.memory_space<hbm>>) target(%arg7 : memref<128xi32, #tpu.memory_space<vmem>>) target_semaphore(%run_scoped3A : memref<!tpu.dma_semaphore, #tpu.memory_space<semaphore_mem>>)
        %dma_wait3A_385 = tpu.memref_slice %arg4[%add3A_18] : memref<204800xi32, #tpu.memory_space<hbm>> -> memref<128xi32, #tpu.memory_space<hbm>>
        %dma_wait3A_386 = tpu.memref_slice %arg4[%add3A_18] : memref<204800xi32, #tpu.memory_space<hbm>> -> memref<128xi32, #tpu.memory_space<hbm>>
        tpu.wait_dma2 semaphore(%run_scoped3A : memref<!tpu.dma_semaphore, #tpu.memory_space<semaphore_mem>>) src(%dma_wait3A_386 : memref<128xi32, #tpu.memory_space<hbm>>) dst(%arg7 : memref<128xi32, #tpu.memory_space<vmem>>)
        tpu.yield
      }) : () -> ()
      %dma_start3A = arith.constant 0 : i32
      %dma_start3A_19 = arith.constant 0 : i32
      %dma_start3A_20 = tpu.memref_slice %arg2[%dma_start3A, %dma_start3A_19] : memref<100000x128xf32, #tpu.memory_space<hbm>> -> memref<100000x128xf32, #tpu.memory_space<hbm>>
      tpu.enqueue_indirect_dma source(%dma_start3A_20 : memref<100000x128xf32, #tpu.memory_space<hbm>>) target(%arg8 : memref<128x128xf32, #tpu.memory_space<vmem>>) offsets(%arg6 : memref<128xi32, #tpu.memory_space<vmem>>) semaphore(%arg14 : memref<!tpu.dma_semaphore, #tpu.memory_space<semaphore_mem>>)
      %dma_start3A_21 = arith.constant 0 : i32
      %dma_start3A_22 = arith.constant 0 : i32
      %dma_start3A_23 = tpu.memref_slice %arg2[%dma_start3A_21, %dma_start3A_22] : memref<100000x128xf32, #tpu.memory_space<hbm>> -> memref<100000x128xf32, #tpu.memory_space<hbm>>
      tpu.enqueue_indirect_dma source(%dma_start3A_23 : memref<100000x128xf32, #tpu.memory_space<hbm>>) target(%arg9 : memref<128x128xf32, #tpu.memory_space<vmem>>) offsets(%arg7 : memref<128xi32, #tpu.memory_space<vmem>>) semaphore(%arg15 : memref<!tpu.dma_semaphore, #tpu.memory_space<semaphore_mem>>)
      %dma_wait3A = arith.constant 0 : i32
      %dma_wait3A_24 = arith.constant 0 : i32
      %dma_wait3A_25 = tpu.memref_slice %arg2[%dma_wait3A, %dma_wait3A_24] : memref<100000x128xf32, #tpu.memory_space<hbm>> -> memref<100000x128xf32, #tpu.memory_space<hbm>>
      tpu.wait_indirect_dma semaphore(%arg14 : memref<!tpu.dma_semaphore, #tpu.memory_space<semaphore_mem>>) src(%dma_wait3A_25 : memref<100000x128xf32, #tpu.memory_space<hbm>>) dst(%arg8 : memref<128x128xf32, #tpu.memory_space<vmem>>)
      %dma_wait3A_26 = arith.constant 0 : i32
      %dma_wait3A_27 = arith.constant 0 : i32
      %dma_wait3A_28 = tpu.memref_slice %arg2[%dma_wait3A_26, %dma_wait3A_27] : memref<100000x128xf32, #tpu.memory_space<hbm>> -> memref<100000x128xf32, #tpu.memory_space<hbm>>
      tpu.wait_indirect_dma semaphore(%arg15 : memref<!tpu.dma_semaphore, #tpu.memory_space<semaphore_mem>>) src(%dma_wait3A_28 : memref<100000x128xf32, #tpu.memory_space<hbm>>) dst(%arg9 : memref<128x128xf32, #tpu.memory_space<vmem>>)
      %scan3A_29 = arith.constant 0 : i32
      %scan3A_30 = arith.constant 0 : i32
      %scan3A_31 = arith.constant 128 : i32
      %scan3A_32 = arith.addi %scan3A_30, %scan3A_31 : i32
      %scan3A_33 = arith.constant 1 : i32
      scf.for %scan3A_383 = %scan3A_30 to %scan3A_32 step %scan3A_33  : i32 {
        %get3A_384 = arith.index_cast %scan3A_383 : i32 to index
        %get3A_385 = arith.constant 0 : index
        %get3A_386 = tpu.vector_load %arg8[%get3A_384, %get3A_385] {strides = array<i32>} : memref<128x128xf32, #tpu.memory_space<vmem>>, vector<16xf32>,
        %get3A_387 = arith.index_cast %scan3A_383 : i32 to index
        %get3A_388 = arith.constant 0 : index
        %get3A_389 = tpu.vector_load %arg9[%get3A_387, %get3A_388] {strides = array<i32>} : memref<128x128xf32, #tpu.memory_space<vmem>>, vector<16xf32>,
        %mul3A_390 = arith.mulf %get3A_386, %get3A_389 : vector<16xf32>
        %mul3A_391 = arith.mulf %get3A_386, %get3A_386 : vector<16xf32>
        %mul3A_392 = arith.mulf %get3A_389, %get3A_389 : vector<16xf32>
        %get3A_393 = arith.index_cast %scan3A_383 : i32 to index
        %get3A_394 = arith.constant 16 : index
        %get3A_395 = tpu.vector_load %arg8[%get3A_393, %get3A_394] {strides = array<i32>} : memref<128x128xf32, #tpu.memory_space<vmem>>, vector<16xf32>,
        %get3A_396 = arith.index_cast %scan3A_383 : i32 to index
        %get3A_397 = arith.constant 16 : index
        %get3A_398 = tpu.vector_load %arg9[%get3A_396, %get3A_397] {strides = array<i32>} : memref<128x128xf32, #tpu.memory_space<vmem>>, vector<16xf32>,
        %mul3A_399 = arith.mulf %get3A_395, %get3A_398 : vector<16xf32>
        %add3A_400 = arith.addf %mul3A_390, %mul3A_399 : vector<16xf32>
        %mul3A_401 = arith.mulf %get3A_395, %get3A_395 : vector<16xf32>
        %add3A_402 = arith.addf %mul3A_391, %mul3A_401 : vector<16xf32>
        %mul3A_403 = arith.mulf %get3A_398, %get3A_398 : vector<16xf32>
        %add3A_404 = arith.addf %mul3A_392, %mul3A_403 : vector<16xf32>
        %get3A_405 = arith.index_cast %scan3A_383 : i32 to index
        %get3A_406 = arith.constant 32 : index
        %get3A_407 = tpu.vector_load %arg8[%get3A_405, %get3A_406] {strides = array<i32>} : memref<128x128xf32, #tpu.memory_space<vmem>>, vector<16xf32>,
        %get3A_408 = arith.index_cast %scan3A_383 : i32 to index
        %get3A_409 = arith.constant 32 : index
        %get3A_410 = tpu.vector_load %arg9[%get3A_408, %get3A_409] {strides = array<i32>} : memref<128x128xf32, #tpu.memory_space<vmem>>, vector<16xf32>,
        %mul3A_411 = arith.mulf %get3A_407, %get3A_410 : vector<16xf32>
        %add3A_412 = arith.addf %add3A_400, %mul3A_411 : vector<16xf32>
        %mul3A_413 = arith.mulf %get3A_407, %get3A_407 : vector<16xf32>
        %add3A_414 = arith.addf %add3A_402, %mul3A_413 : vector<16xf32>
        %mul3A_415 = arith.mulf %get3A_410, %get3A_410 : vector<16xf32>
        %add3A_416 = arith.addf %add3A_404, %mul3A_415 : vector<16xf32>
        %get3A_417 = arith.index_cast %scan3A_383 : i32 to index
        %get3A_418 = arith.constant 48 : index
        %get3A_419 = tpu.vector_load %arg8[%get3A_417, %get3A_418] {strides = array<i32>} : memref<128x128xf32, #tpu.memory_space<vmem>>, vector<16xf32>,
        %get3A_420 = arith.index_cast %scan3A_383 : i32 to index
        %get3A_421 = arith.constant 48 : index
        %get3A_422 = tpu.vector_load %arg9[%get3A_420, %get3A_421] {strides = array<i32>} : memref<128x128xf32, #tpu.memory_space<vmem>>, vector<16xf32>,
        %mul3A_423 = arith.mulf %get3A_419, %get3A_422 : vector<16xf32>
        %add3A_424 = arith.addf %add3A_412, %mul3A_423 : vector<16xf32>
        %mul3A_425 = arith.mulf %get3A_419, %get3A_419 : vector<16xf32>
        %add3A_426 = arith.addf %add3A_414, %mul3A_425 : vector<16xf32>
        %mul3A_427 = arith.mulf %get3A_422, %get3A_422 : vector<16xf32>
        %add3A_428 = arith.addf %add3A_416, %mul3A_427 : vector<16xf32>
        %get3A_429 = arith.index_cast %scan3A_383 : i32 to index
        %get3A_430 = arith.constant 64 : index
        %get3A_431 = tpu.vector_load %arg8[%get3A_429, %get3A_430] {strides = array<i32>} : memref<128x128xf32, #tpu.memory_space<vmem>>, vector<16xf32>,
        %get3A_432 = arith.index_cast %scan3A_383 : i32 to index
        %get3A_433 = arith.constant 64 : index
        %get3A_434 = tpu.vector_load %arg9[%get3A_432, %get3A_433] {strides = array<i32>} : memref<128x128xf32, #tpu.memory_space<vmem>>, vector<16xf32>,
        %mul3A_435 = arith.mulf %get3A_431, %get3A_434 : vector<16xf32>
        %add3A_436 = arith.addf %add3A_424, %mul3A_435 : vector<16xf32>
        %mul3A_437 = arith.mulf %get3A_431, %get3A_431 : vector<16xf32>
        %add3A_438 = arith.addf %add3A_426, %mul3A_437 : vector<16xf32>
        %mul3A_439 = arith.mulf %get3A_434, %get3A_434 : vector<16xf32>
        %add3A_440 = arith.addf %add3A_428, %mul3A_439 : vector<16xf32>
        %get3A_441 = arith.index_cast %scan3A_383 : i32 to index
        %get3A_442 = arith.constant 80 : index
        %get3A_443 = tpu.vector_load %arg8[%get3A_441, %get3A_442] {strides = array<i32>} : memref<128x128xf32, #tpu.memory_space<vmem>>, vector<16xf32>,
        %get3A_444 = arith.index_cast %scan3A_383 : i32 to index
        %get3A_445 = arith.constant 80 : index
        %get3A_446 = tpu.vector_load %arg9[%get3A_444, %get3A_445] {strides = array<i32>} : memref<128x128xf32, #tpu.memory_space<vmem>>, vector<16xf32>,
        %mul3A_447 = arith.mulf %get3A_443, %get3A_446 : vector<16xf32>
        %add3A_448 = arith.addf %add3A_436, %mul3A_447 : vector<16xf32>
        %mul3A_449 = arith.mulf %get3A_443, %get3A_443 : vector<16xf32>
        %add3A_450 = arith.addf %add3A_438, %mul3A_449 : vector<16xf32>
        %mul3A_451 = arith.mulf %get3A_446, %get3A_446 : vector<16xf32>
        %add3A_452 = arith.addf %add3A_440, %mul3A_451 : vector<16xf32>
        %get3A_453 = arith.index_cast %scan3A_383 : i32 to index
        %get3A_454 = arith.constant 96 : index
        %get3A_455 = tpu.vector_load %arg8[%get3A_453, %get3A_454] {strides = array<i32>} : memref<128x128xf32, #tpu.memory_space<vmem>>, vector<16xf32>,
        %get3A_456 = arith.index_cast %scan3A_383 : i32 to index
        %get3A_457 = arith.constant 96 : index
        %get3A_458 = tpu.vector_load %arg9[%get3A_456, %get3A_457] {strides = array<i32>} : memref<128x128xf32, #tpu.memory_space<vmem>>, vector<16xf32>,
        %mul3A_459 = arith.mulf %get3A_455, %get3A_458 : vector<16xf32>
        %add3A_460 = arith.addf %add3A_448, %mul3A_459 : vector<16xf32>
        %mul3A_461 = arith.mulf %get3A_455, %get3A_455 : vector<16xf32>
        %add3A_462 = arith.addf %add3A_450, %mul3A_461 : vector<16xf32>
        %mul3A_463 = arith.mulf %get3A_458, %get3A_458 : vector<16xf32>
        %add3A_464 = arith.addf %add3A_452, %mul3A_463 : vector<16xf32>
        %get3A_465 = arith.index_cast %scan3A_383 : i32 to index
        %get3A_466 = arith.constant 112 : index
        %get3A_467 = tpu.vector_load %arg8[%get3A_465, %get3A_466] {strides = array<i32>} : memref<128x128xf32, #tpu.memory_space<vmem>>, vector<16xf32>,
        %get3A_468 = arith.index_cast %scan3A_383 : i32 to index
        %get3A_469 = arith.constant 112 : index
        %get3A_470 = tpu.vector_load %arg9[%get3A_468, %get3A_469] {strides = array<i32>} : memref<128x128xf32, #tpu.memory_space<vmem>>, vector<16xf32>,
        %mul3A_471 = arith.mulf %get3A_467, %get3A_470 : vector<16xf32>
        %add3A_472 = arith.addf %add3A_460, %mul3A_471 : vector<16xf32>
        %mul3A_473 = arith.mulf %get3A_467, %get3A_467 : vector<16xf32>
        %add3A_474 = arith.addf %add3A_462, %mul3A_473 : vector<16xf32>
        %mul3A_475 = arith.mulf %get3A_470, %get3A_470 : vector<16xf32>
        %add3A_476 = arith.addf %add3A_464, %mul3A_475 : vector<16xf32>
        %broadcast_in_dim3A_477 = vector.broadcast %scan3A_383 : i32 to vector<16xi32>
        %broadcast_in_dim3A_478 = arith.constant true
        %broadcast_in_dim3A_479 = vector.broadcast %broadcast_in_dim3A_478 : i1 to vector<16xi1>
        %masked_cumsum3A = tpu.scan <sum>, %add3A_472 masked %broadcast_in_dim3A_479 : vector<16xf32>, vector<16xi1> -> vector<16xf32>
        tpu.vector_store_idx %arg10[%broadcast_in_dim3A_477], %masked_cumsum3A masked %eq3A_4 : memref<128xf32, #tpu.memory_space<vmem>>[vector<16xi32>], vector<16xf32>, vector<16xi1>
        %broadcast_in_dim3A_480 = arith.constant true
        %broadcast_in_dim3A_481 = vector.broadcast %broadcast_in_dim3A_480 : i1 to vector<16xi1>
        %masked_cumsum3A_482 = tpu.scan <sum>, %add3A_474 masked %broadcast_in_dim3A_481 : vector<16xf32>, vector<16xi1> -> vector<16xf32>
        tpu.vector_store_idx %arg11[%broadcast_in_dim3A_477], %masked_cumsum3A_482 masked %eq3A_4 : memref<128xf32, #tpu.memory_space<vmem>>[vector<16xi32>], vector<16xf32>, vector<16xi1>
        %broadcast_in_dim3A_483 = arith.constant true
        %broadcast_in_dim3A_484 = vector.broadcast %broadcast_in_dim3A_483 : i1 to vector<16xi1>
        %masked_cumsum3A_485 = tpu.scan <sum>, %add3A_476 masked %broadcast_in_dim3A_484 : vector<16xf32>, vector<16xi1> -> vector<16xf32>
        tpu.vector_store_idx %arg12[%broadcast_in_dim3A_477], %masked_cumsum3A_485 masked %eq3A_4 : memref<128xf32, #tpu.memory_space<vmem>>[vector<16xi32>], vector<16xf32>, vector<16xi1>
      }
      %scan3A_34 = arith.constant 128 : i32
      %get3A = arith.constant 0 : index
      %get3A_35 = tpu.vector_load %arg10[%get3A] {strides = array<i32>} : memref<128xf32, #tpu.memory_space<vmem>>, vector<16xf32>,
      %get3A_36 = arith.constant 0 : index
      %get3A_37 = tpu.vector_load %arg11[%get3A_36] {strides = array<i32>} : memref<128xf32, #tpu.memory_space<vmem>>, vector<16xf32>,
      %get3A_38 = arith.constant 0 : index
      %get3A_39 = tpu.vector_load %arg12[%get3A_38] {strides = array<i32>} : memref<128xf32, #tpu.memory_space<vmem>>, vector<16xf32>,
      %mul3A_40 = arith.mulf %get3A_37, %get3A_39 : vector<16xf32>
      %bitcast3A = vector.bitcast %mul3A_40 : vector<16xf32> to vector<16xi32>
      %shift_right_arithmetic3A = arith.constant 1 : i32
      %shift_right_arithmetic3A_41 = vector.broadcast %shift_right_arithmetic3A : i32 to vector<16xi32>
      %shift_right_arithmetic3A_42 = arith.shrsi %bitcast3A, %shift_right_arithmetic3A_41 : vector<16xi32>
      %sub3A = arith.constant 1597463007 : i32
      %sub3A_43 = vector.broadcast %sub3A : i32 to vector<16xi32>
      %sub3A_44 = arith.subi %sub3A_43, %shift_right_arithmetic3A_42 : vector<16xi32>
      %bitcast3A_45 = vector.bitcast %sub3A_44 : vector<16xi32> to vector<16xf32>
      %mul3A_46 = arith.constant 5.000000e-01 : f32
      %mul3A_47 = vector.broadcast %mul3A_46 : f32 to vector<16xf32>
      %mul3A_48 = arith.mulf %mul3A_47, %mul3A_40 : vector<16xf32>
      %mul3A_49 = arith.mulf %mul3A_48, %bitcast3A_45 : vector<16xf32>
      %mul3A_50 = arith.mulf %mul3A_49, %bitcast3A_45 : vector<16xf32>
      %sub3A_51 = arith.constant 1.500000e+00 : f32
      %sub3A_52 = vector.broadcast %sub3A_51 : f32 to vector<16xf32>
      %sub3A_53 = arith.subf %sub3A_52, %mul3A_50 : vector<16xf32>
      %mul3A_54 = arith.mulf %bitcast3A_45, %sub3A_53 : vector<16xf32>
      %mul3A_55 = arith.constant 5.000000e-01 : f32
      %mul3A_56 = vector.broadcast %mul3A_55 : f32 to vector<16xf32>
      %mul3A_57 = arith.mulf %mul3A_56, %mul3A_40 : vector<16xf32>
      %mul3A_58 = arith.mulf %mul3A_57, %mul3A_54 : vector<16xf32>
      %mul3A_59 = arith.mulf %mul3A_58, %mul3A_54 : vector<16xf32>
      %sub3A_60 = arith.constant 1.500000e+00 : f32
      %sub3A_61 = vector.broadcast %sub3A_60 : f32 to vector<16xf32>
      %sub3A_62 = arith.subf %sub3A_61, %mul3A_59 : vector<16xf32>
      %mul3A_63 = arith.mulf %mul3A_54, %sub3A_62 : vector<16xf32>
      %mul3A_64 = arith.constant 5.000000e-01 : f32
      %mul3A_65 = vector.broadcast %mul3A_64 : f32 to vector<16xf32>
      %mul3A_66 = arith.mulf %mul3A_65, %mul3A_40 : vector<16xf32>
      %mul3A_67 = arith.mulf %mul3A_66, %mul3A_63 : vector<16xf32>
      %mul3A_68 = arith.mulf %mul3A_67, %mul3A_63 : vector<16xf32>
      %sub3A_69 = arith.constant 1.500000e+00 : f32
      %sub3A_70 = vector.broadcast %sub3A_69 : f32 to vector<16xf32>
      %sub3A_71 = arith.subf %sub3A_70, %mul3A_68 : vector<16xf32>
      %mul3A_72 = arith.mulf %mul3A_63, %sub3A_71 : vector<16xf32>
      %mul3A_73 = arith.mulf %get3A_35, %mul3A_72 : vector<16xf32>
      %add3A_74 = arith.addf %scan3A_15, %mul3A_73 : vector<16xf32>
      %get3A_75 = arith.constant 16 : index
      %get3A_76 = tpu.vector_load %arg10[%get3A_75] {strides = array<i32>} : memref<128xf32, #tpu.memory_space<vmem>>, vector<16xf32>,
      %get3A_77 = arith.constant 16 : index
      %get3A_78 = tpu.vector_load %arg11[%get3A_77] {strides = array<i32>} : memref<128xf32, #tpu.memory_space<vmem>>, vector<16xf32>,
      %get3A_79 = arith.constant 16 : index
      %get3A_80 = tpu.vector_load %arg12[%get3A_79] {strides = array<i32>} : memref<128xf32, #tpu.memory_space<vmem>>, vector<16xf32>,
      %mul3A_81 = arith.mulf %get3A_78, %get3A_80 : vector<16xf32>
      %bitcast3A_82 = vector.bitcast %mul3A_81 : vector<16xf32> to vector<16xi32>
      %shift_right_arithmetic3A_83 = arith.constant 1 : i32
      %shift_right_arithmetic3A_84 = vector.broadcast %shift_right_arithmetic3A_83 : i32 to vector<16xi32>
      %shift_right_arithmetic3A_85 = arith.shrsi %bitcast3A_82, %shift_right_arithmetic3A_84 : vector<16xi32>
      %sub3A_86 = arith.constant 1597463007 : i32
      %sub3A_87 = vector.broadcast %sub3A_86 : i32 to vector<16xi32>
      %sub3A_88 = arith.subi %sub3A_87, %shift_right_arithmetic3A_85 : vector<16xi32>
      %bitcast3A_89 = vector.bitcast %sub3A_88 : vector<16xi32> to vector<16xf32>
      %mul3A_90 = arith.constant 5.000000e-01 : f32
      %mul3A_91 = vector.broadcast %mul3A_90 : f32 to vector<16xf32>
      %mul3A_92 = arith.mulf %mul3A_91, %mul3A_81 : vector<16xf32>
      %mul3A_93 = arith.mulf %mul3A_92, %bitcast3A_89 : vector<16xf32>
      %mul3A_94 = arith.mulf %mul3A_93, %bitcast3A_89 : vector<16xf32>
      %sub3A_95 = arith.constant 1.500000e+00 : f32
      %sub3A_96 = vector.broadcast %sub3A_95 : f32 to vector<16xf32>
      %sub3A_97 = arith.subf %sub3A_96, %mul3A_94 : vector<16xf32>
      %mul3A_98 = arith.mulf %bitcast3A_89, %sub3A_97 : vector<16xf32>
      %mul3A_99 = arith.constant 5.000000e-01 : f32
      %mul3A_100 = vector.broadcast %mul3A_99 : f32 to vector<16xf32>
      %mul3A_101 = arith.mulf %mul3A_100, %mul3A_81 : vector<16xf32>
      %mul3A_102 = arith.mulf %mul3A_101, %mul3A_98 : vector<16xf32>
      %mul3A_103 = arith.mulf %mul3A_102, %mul3A_98 : vector<16xf32>
      %sub3A_104 = arith.constant 1.500000e+00 : f32
      %sub3A_105 = vector.broadcast %sub3A_104 : f32 to vector<16xf32>
      %sub3A_106 = arith.subf %sub3A_105, %mul3A_103 : vector<16xf32>
      %mul3A_107 = arith.mulf %mul3A_98, %sub3A_106 : vector<16xf32>
      %mul3A_108 = arith.constant 5.000000e-01 : f32
      %mul3A_109 = vector.broadcast %mul3A_108 : f32 to vector<16xf32>
      %mul3A_110 = arith.mulf %mul3A_109, %mul3A_81 : vector<16xf32>
      %mul3A_111 = arith.mulf %mul3A_110, %mul3A_107 : vector<16xf32>
      %mul3A_112 = arith.mulf %mul3A_111, %mul3A_107 : vector<16xf32>
      %sub3A_113 = arith.constant 1.500000e+00 : f32
      %sub3A_114 = vector.broadcast %sub3A_113 : f32 to vector<16xf32>
      %sub3A_115 = arith.subf %sub3A_114, %mul3A_112 : vector<16xf32>
      %mul3A_116 = arith.mulf %mul3A_107, %sub3A_115 : vector<16xf32>
      %mul3A_117 = arith.mulf %get3A_76, %mul3A_116 : vector<16xf32>
      %add3A_118 = arith.addf %add3A_74, %mul3A_117 : vector<16xf32>
      %get3A_119 = arith.constant 32 : index
      %get3A_120 = tpu.vector_load %arg10[%get3A_119] {strides = array<i32>} : memref<128xf32, #tpu.memory_space<vmem>>, vector<16xf32>,
      %get3A_121 = arith.constant 32 : index
      %get3A_122 = tpu.vector_load %arg11[%get3A_121] {strides = array<i32>} : memref<128xf32, #tpu.memory_space<vmem>>, vector<16xf32>,
      %get3A_123 = arith.constant 32 : index
      %get3A_124 = tpu.vector_load %arg12[%get3A_123] {strides = array<i32>} : memref<128xf32, #tpu.memory_space<vmem>>, vector<16xf32>,
      %mul3A_125 = arith.mulf %get3A_122, %get3A_124 : vector<16xf32>
      %bitcast3A_126 = vector.bitcast %mul3A_125 : vector<16xf32> to vector<16xi32>
      %shift_right_arithmetic3A_127 = arith.constant 1 : i32
      %shift_right_arithmetic3A_128 = vector.broadcast %shift_right_arithmetic3A_127 : i32 to vector<16xi32>
      %shift_right_arithmetic3A_129 = arith.shrsi %bitcast3A_126, %shift_right_arithmetic3A_128 : vector<16xi32>
      %sub3A_130 = arith.constant 1597463007 : i32
      %sub3A_131 = vector.broadcast %sub3A_130 : i32 to vector<16xi32>
      %sub3A_132 = arith.subi %sub3A_131, %shift_right_arithmetic3A_129 : vector<16xi32>
      %bitcast3A_133 = vector.bitcast %sub3A_132 : vector<16xi32> to vector<16xf32>
      %mul3A_134 = arith.constant 5.000000e-01 : f32
      %mul3A_135 = vector.broadcast %mul3A_134 : f32 to vector<16xf32>
      %mul3A_136 = arith.mulf %mul3A_135, %mul3A_125 : vector<16xf32>
      %mul3A_137 = arith.mulf %mul3A_136, %bitcast3A_133 : vector<16xf32>
      %mul3A_138 = arith.mulf %mul3A_137, %bitcast3A_133 : vector<16xf32>
      %sub3A_139 = arith.constant 1.500000e+00 : f32
      %sub3A_140 = vector.broadcast %sub3A_139 : f32 to vector<16xf32>
      %sub3A_141 = arith.subf %sub3A_140, %mul3A_138 : vector<16xf32>
      %mul3A_142 = arith.mulf %bitcast3A_133, %sub3A_141 : vector<16xf32>
      %mul3A_143 = arith.constant 5.000000e-01 : f32
      %mul3A_144 = vector.broadcast %mul3A_143 : f32 to vector<16xf32>
      %mul3A_145 = arith.mulf %mul3A_144, %mul3A_125 : vector<16xf32>
      %mul3A_146 = arith.mulf %mul3A_145, %mul3A_142 : vector<16xf32>
      %mul3A_147 = arith.mulf %mul3A_146, %mul3A_142 : vector<16xf32>
      %sub3A_148 = arith.constant 1.500000e+00 : f32
      %sub3A_149 = vector.broadcast %sub3A_148 : f32 to vector<16xf32>
      %sub3A_150 = arith.subf %sub3A_149, %mul3A_147 : vector<16xf32>
      %mul3A_151 = arith.mulf %mul3A_142, %sub3A_150 : vector<16xf32>
      %mul3A_152 = arith.constant 5.000000e-01 : f32
      %mul3A_153 = vector.broadcast %mul3A_152 : f32 to vector<16xf32>
      %mul3A_154 = arith.mulf %mul3A_153, %mul3A_125 : vector<16xf32>
      %mul3A_155 = arith.mulf %mul3A_154, %mul3A_151 : vector<16xf32>
      %mul3A_156 = arith.mulf %mul3A_155, %mul3A_151 : vector<16xf32>
      %sub3A_157 = arith.constant 1.500000e+00 : f32
      %sub3A_158 = vector.broadcast %sub3A_157 : f32 to vector<16xf32>
      %sub3A_159 = arith.subf %sub3A_158, %mul3A_156 : vector<16xf32>
      %mul3A_160 = arith.mulf %mul3A_151, %sub3A_159 : vector<16xf32>
      %mul3A_161 = arith.mulf %get3A_120, %mul3A_160 : vector<16xf32>
      %add3A_162 = arith.addf %add3A_118, %mul3A_161 : vector<16xf32>
      %get3A_163 = arith.constant 48 : index
      %get3A_164 = tpu.vector_load %arg10[%get3A_163] {strides = array<i32>} : memref<128xf32, #tpu.memory_space<vmem>>, vector<16xf32>,
      %get3A_165 = arith.constant 48 : index
      %get3A_166 = tpu.vector_load %arg11[%get3A_165] {strides = array<i32>} : memref<128xf32, #tpu.memory_space<vmem>>, vector<16xf32>,
      %get3A_167 = arith.constant 48 : index
      %get3A_168 = tpu.vector_load %arg12[%get3A_167] {strides = array<i32>} : memref<128xf32, #tpu.memory_space<vmem>>, vector<16xf32>,
      %mul3A_169 = arith.mulf %get3A_166, %get3A_168 : vector<16xf32>
      %bitcast3A_170 = vector.bitcast %mul3A_169 : vector<16xf32> to vector<16xi32>
      %shift_right_arithmetic3A_171 = arith.constant 1 : i32
      %shift_right_arithmetic3A_172 = vector.broadcast %shift_right_arithmetic3A_171 : i32 to vector<16xi32>
      %shift_right_arithmetic3A_173 = arith.shrsi %bitcast3A_170, %shift_right_arithmetic3A_172 : vector<16xi32>
      %sub3A_174 = arith.constant 1597463007 : i32
      %sub3A_175 = vector.broadcast %sub3A_174 : i32 to vector<16xi32>
      %sub3A_176 = arith.subi %sub3A_175, %shift_right_arithmetic3A_173 : vector<16xi32>
      %bitcast3A_177 = vector.bitcast %sub3A_176 : vector<16xi32> to vector<16xf32>
      %mul3A_178 = arith.constant 5.000000e-01 : f32
      %mul3A_179 = vector.broadcast %mul3A_178 : f32 to vector<16xf32>
      %mul3A_180 = arith.mulf %mul3A_179, %mul3A_169 : vector<16xf32>
      %mul3A_181 = arith.mulf %mul3A_180, %bitcast3A_177 : vector<16xf32>
      %mul3A_182 = arith.mulf %mul3A_181, %bitcast3A_177 : vector<16xf32>
      %sub3A_183 = arith.constant 1.500000e+00 : f32
      %sub3A_184 = vector.broadcast %sub3A_183 : f32 to vector<16xf32>
      %sub3A_185 = arith.subf %sub3A_184, %mul3A_182 : vector<16xf32>
      %mul3A_186 = arith.mulf %bitcast3A_177, %sub3A_185 : vector<16xf32>
      %mul3A_187 = arith.constant 5.000000e-01 : f32
      %mul3A_188 = vector.broadcast %mul3A_187 : f32 to vector<16xf32>
      %mul3A_189 = arith.mulf %mul3A_188, %mul3A_169 : vector<16xf32>
      %mul3A_190 = arith.mulf %mul3A_189, %mul3A_186 : vector<16xf32>
      %mul3A_191 = arith.mulf %mul3A_190, %mul3A_186 : vector<16xf32>
      %sub3A_192 = arith.constant 1.500000e+00 : f32
      %sub3A_193 = vector.broadcast %sub3A_192 : f32 to vector<16xf32>
      %sub3A_194 = arith.subf %sub3A_193, %mul3A_191 : vector<16xf32>
      %mul3A_195 = arith.mulf %mul3A_186, %sub3A_194 : vector<16xf32>
      %mul3A_196 = arith.constant 5.000000e-01 : f32
      %mul3A_197 = vector.broadcast %mul3A_196 : f32 to vector<16xf32>
      %mul3A_198 = arith.mulf %mul3A_197, %mul3A_169 : vector<16xf32>
      %mul3A_199 = arith.mulf %mul3A_198, %mul3A_195 : vector<16xf32>
      %mul3A_200 = arith.mulf %mul3A_199, %mul3A_195 : vector<16xf32>
      %sub3A_201 = arith.constant 1.500000e+00 : f32
      %sub3A_202 = vector.broadcast %sub3A_201 : f32 to vector<16xf32>
      %sub3A_203 = arith.subf %sub3A_202, %mul3A_200 : vector<16xf32>
      %mul3A_204 = arith.mulf %mul3A_195, %sub3A_203 : vector<16xf32>
      %mul3A_205 = arith.mulf %get3A_164, %mul3A_204 : vector<16xf32>
      %add3A_206 = arith.addf %add3A_162, %mul3A_205 : vector<16xf32>
      %get3A_207 = arith.constant 64 : index
      %get3A_208 = tpu.vector_load %arg10[%get3A_207] {strides = array<i32>} : memref<128xf32, #tpu.memory_space<vmem>>, vector<16xf32>,
      %get3A_209 = arith.constant 64 : index
      %get3A_210 = tpu.vector_load %arg11[%get3A_209] {strides = array<i32>} : memref<128xf32, #tpu.memory_space<vmem>>, vector<16xf32>,
      %get3A_211 = arith.constant 64 : index
      %get3A_212 = tpu.vector_load %arg12[%get3A_211] {strides = array<i32>} : memref<128xf32, #tpu.memory_space<vmem>>, vector<16xf32>,
      %mul3A_213 = arith.mulf %get3A_210, %get3A_212 : vector<16xf32>
      %bitcast3A_214 = vector.bitcast %mul3A_213 : vector<16xf32> to vector<16xi32>
      %shift_right_arithmetic3A_215 = arith.constant 1 : i32
      %shift_right_arithmetic3A_216 = vector.broadcast %shift_right_arithmetic3A_215 : i32 to vector<16xi32>
      %shift_right_arithmetic3A_217 = arith.shrsi %bitcast3A_214, %shift_right_arithmetic3A_216 : vector<16xi32>
      %sub3A_218 = arith.constant 1597463007 : i32
      %sub3A_219 = vector.broadcast %sub3A_218 : i32 to vector<16xi32>
      %sub3A_220 = arith.subi %sub3A_219, %shift_right_arithmetic3A_217 : vector<16xi32>
      %bitcast3A_221 = vector.bitcast %sub3A_220 : vector<16xi32> to vector<16xf32>
      %mul3A_222 = arith.constant 5.000000e-01 : f32
      %mul3A_223 = vector.broadcast %mul3A_222 : f32 to vector<16xf32>
      %mul3A_224 = arith.mulf %mul3A_223, %mul3A_213 : vector<16xf32>
      %mul3A_225 = arith.mulf %mul3A_224, %bitcast3A_221 : vector<16xf32>
      %mul3A_226 = arith.mulf %mul3A_225, %bitcast3A_221 : vector<16xf32>
      %sub3A_227 = arith.constant 1.500000e+00 : f32
      %sub3A_228 = vector.broadcast %sub3A_227 : f32 to vector<16xf32>
      %sub3A_229 = arith.subf %sub3A_228, %mul3A_226 : vector<16xf32>
      %mul3A_230 = arith.mulf %bitcast3A_221, %sub3A_229 : vector<16xf32>
      %mul3A_231 = arith.constant 5.000000e-01 : f32
      %mul3A_232 = vector.broadcast %mul3A_231 : f32 to vector<16xf32>
      %mul3A_233 = arith.mulf %mul3A_232, %mul3A_213 : vector<16xf32>
      %mul3A_234 = arith.mulf %mul3A_233, %mul3A_230 : vector<16xf32>
      %mul3A_235 = arith.mulf %mul3A_234, %mul3A_230 : vector<16xf32>
      %sub3A_236 = arith.constant 1.500000e+00 : f32
      %sub3A_237 = vector.broadcast %sub3A_236 : f32 to vector<16xf32>
      %sub3A_238 = arith.subf %sub3A_237, %mul3A_235 : vector<16xf32>
      %mul3A_239 = arith.mulf %mul3A_230, %sub3A_238 : vector<16xf32>
      %mul3A_240 = arith.constant 5.000000e-01 : f32
      %mul3A_241 = vector.broadcast %mul3A_240 : f32 to vector<16xf32>
      %mul3A_242 = arith.mulf %mul3A_241, %mul3A_213 : vector<16xf32>
      %mul3A_243 = arith.mulf %mul3A_242, %mul3A_239 : vector<16xf32>
      %mul3A_244 = arith.mulf %mul3A_243, %mul3A_239 : vector<16xf32>
      %sub3A_245 = arith.constant 1.500000e+00 : f32
      %sub3A_246 = vector.broadcast %sub3A_245 : f32 to vector<16xf32>
      %sub3A_247 = arith.subf %sub3A_246, %mul3A_244 : vector<16xf32>
      %mul3A_248 = arith.mulf %mul3A_239, %sub3A_247 : vector<16xf32>
      %mul3A_249 = arith.mulf %get3A_208, %mul3A_248 : vector<16xf32>
      %add3A_250 = arith.addf %add3A_206, %mul3A_249 : vector<16xf32>
      %get3A_251 = arith.constant 80 : index
      %get3A_252 = tpu.vector_load %arg10[%get3A_251] {strides = array<i32>} : memref<128xf32, #tpu.memory_space<vmem>>, vector<16xf32>,
      %get3A_253 = arith.constant 80 : index
      %get3A_254 = tpu.vector_load %arg11[%get3A_253] {strides = array<i32>} : memref<128xf32, #tpu.memory_space<vmem>>, vector<16xf32>,
      %get3A_255 = arith.constant 80 : index
      %get3A_256 = tpu.vector_load %arg12[%get3A_255] {strides = array<i32>} : memref<128xf32, #tpu.memory_space<vmem>>, vector<16xf32>,
      %mul3A_257 = arith.mulf %get3A_254, %get3A_256 : vector<16xf32>
      %bitcast3A_258 = vector.bitcast %mul3A_257 : vector<16xf32> to vector<16xi32>
      %shift_right_arithmetic3A_259 = arith.constant 1 : i32
      %shift_right_arithmetic3A_260 = vector.broadcast %shift_right_arithmetic3A_259 : i32 to vector<16xi32>
      %shift_right_arithmetic3A_261 = arith.shrsi %bitcast3A_258, %shift_right_arithmetic3A_260 : vector<16xi32>
      %sub3A_262 = arith.constant 1597463007 : i32
      %sub3A_263 = vector.broadcast %sub3A_262 : i32 to vector<16xi32>
      %sub3A_264 = arith.subi %sub3A_263, %shift_right_arithmetic3A_261 : vector<16xi32>
      %bitcast3A_265 = vector.bitcast %sub3A_264 : vector<16xi32> to vector<16xf32>
      %mul3A_266 = arith.constant 5.000000e-01 : f32
      %mul3A_267 = vector.broadcast %mul3A_266 : f32 to vector<16xf32>
      %mul3A_268 = arith.mulf %mul3A_267, %mul3A_257 : vector<16xf32>
      %mul3A_269 = arith.mulf %mul3A_268, %bitcast3A_265 : vector<16xf32>
      %mul3A_270 = arith.mulf %mul3A_269, %bitcast3A_265 : vector<16xf32>
      %sub3A_271 = arith.constant 1.500000e+00 : f32
      %sub3A_272 = vector.broadcast %sub3A_271 : f32 to vector<16xf32>
      %sub3A_273 = arith.subf %sub3A_272, %mul3A_270 : vector<16xf32>
      %mul3A_274 = arith.mulf %bitcast3A_265, %sub3A_273 : vector<16xf32>
      %mul3A_275 = arith.constant 5.000000e-01 : f32
      %mul3A_276 = vector.broadcast %mul3A_275 : f32 to vector<16xf32>
      %mul3A_277 = arith.mulf %mul3A_276, %mul3A_257 : vector<16xf32>
      %mul3A_278 = arith.mulf %mul3A_277, %mul3A_274 : vector<16xf32>
      %mul3A_279 = arith.mulf %mul3A_278, %mul3A_274 : vector<16xf32>
      %sub3A_280 = arith.constant 1.500000e+00 : f32
      %sub3A_281 = vector.broadcast %sub3A_280 : f32 to vector<16xf32>
      %sub3A_282 = arith.subf %sub3A_281, %mul3A_279 : vector<16xf32>
      %mul3A_283 = arith.mulf %mul3A_274, %sub3A_282 : vector<16xf32>
      %mul3A_284 = arith.constant 5.000000e-01 : f32
      %mul3A_285 = vector.broadcast %mul3A_284 : f32 to vector<16xf32>
      %mul3A_286 = arith.mulf %mul3A_285, %mul3A_257 : vector<16xf32>
      %mul3A_287 = arith.mulf %mul3A_286, %mul3A_283 : vector<16xf32>
      %mul3A_288 = arith.mulf %mul3A_287, %mul3A_283 : vector<16xf32>
      %sub3A_289 = arith.constant 1.500000e+00 : f32
      %sub3A_290 = vector.broadcast %sub3A_289 : f32 to vector<16xf32>
      %sub3A_291 = arith.subf %sub3A_290, %mul3A_288 : vector<16xf32>
      %mul3A_292 = arith.mulf %mul3A_283, %sub3A_291 : vector<16xf32>
      %mul3A_293 = arith.mulf %get3A_252, %mul3A_292 : vector<16xf32>
      %add3A_294 = arith.addf %add3A_250, %mul3A_293 : vector<16xf32>
      %get3A_295 = arith.constant 96 : index
      %get3A_296 = tpu.vector_load %arg10[%get3A_295] {strides = array<i32>} : memref<128xf32, #tpu.memory_space<vmem>>, vector<16xf32>,
      %get3A_297 = arith.constant 96 : index
      %get3A_298 = tpu.vector_load %arg11[%get3A_297] {strides = array<i32>} : memref<128xf32, #tpu.memory_space<vmem>>, vector<16xf32>,
      %get3A_299 = arith.constant 96 : index
      %get3A_300 = tpu.vector_load %arg12[%get3A_299] {strides = array<i32>} : memref<128xf32, #tpu.memory_space<vmem>>, vector<16xf32>,
      %mul3A_301 = arith.mulf %get3A_298, %get3A_300 : vector<16xf32>
      %bitcast3A_302 = vector.bitcast %mul3A_301 : vector<16xf32> to vector<16xi32>
      %shift_right_arithmetic3A_303 = arith.constant 1 : i32
      %shift_right_arithmetic3A_304 = vector.broadcast %shift_right_arithmetic3A_303 : i32 to vector<16xi32>
      %shift_right_arithmetic3A_305 = arith.shrsi %bitcast3A_302, %shift_right_arithmetic3A_304 : vector<16xi32>
      %sub3A_306 = arith.constant 1597463007 : i32
      %sub3A_307 = vector.broadcast %sub3A_306 : i32 to vector<16xi32>
      %sub3A_308 = arith.subi %sub3A_307, %shift_right_arithmetic3A_305 : vector<16xi32>
      %bitcast3A_309 = vector.bitcast %sub3A_308 : vector<16xi32> to vector<16xf32>
      %mul3A_310 = arith.constant 5.000000e-01 : f32
      %mul3A_311 = vector.broadcast %mul3A_310 : f32 to vector<16xf32>
      %mul3A_312 = arith.mulf %mul3A_311, %mul3A_301 : vector<16xf32>
      %mul3A_313 = arith.mulf %mul3A_312, %bitcast3A_309 : vector<16xf32>
      %mul3A_314 = arith.mulf %mul3A_313, %bitcast3A_309 : vector<16xf32>
      %sub3A_315 = arith.constant 1.500000e+00 : f32
      %sub3A_316 = vector.broadcast %sub3A_315 : f32 to vector<16xf32>
      %sub3A_317 = arith.subf %sub3A_316, %mul3A_314 : vector<16xf32>
      %mul3A_318 = arith.mulf %bitcast3A_309, %sub3A_317 : vector<16xf32>
      %mul3A_319 = arith.constant 5.000000e-01 : f32
      %mul3A_320 = vector.broadcast %mul3A_319 : f32 to vector<16xf32>
      %mul3A_321 = arith.mulf %mul3A_320, %mul3A_301 : vector<16xf32>
      %mul3A_322 = arith.mulf %mul3A_321, %mul3A_318 : vector<16xf32>
      %mul3A_323 = arith.mulf %mul3A_322, %mul3A_318 : vector<16xf32>
      %sub3A_324 = arith.constant 1.500000e+00 : f32
      %sub3A_325 = vector.broadcast %sub3A_324 : f32 to vector<16xf32>
      %sub3A_326 = arith.subf %sub3A_325, %mul3A_323 : vector<16xf32>
      %mul3A_327 = arith.mulf %mul3A_318, %sub3A_326 : vector<16xf32>
      %mul3A_328 = arith.constant 5.000000e-01 : f32
      %mul3A_329 = vector.broadcast %mul3A_328 : f32 to vector<16xf32>
      %mul3A_330 = arith.mulf %mul3A_329, %mul3A_301 : vector<16xf32>
      %mul3A_331 = arith.mulf %mul3A_330, %mul3A_327 : vector<16xf32>
      %mul3A_332 = arith.mulf %mul3A_331, %mul3A_327 : vector<16xf32>
      %sub3A_333 = arith.constant 1.500000e+00 : f32
      %sub3A_334 = vector.broadcast %sub3A_333 : f32 to vector<16xf32>
      %sub3A_335 = arith.subf %sub3A_334, %mul3A_332 : vector<16xf32>
      %mul3A_336 = arith.mulf %mul3A_327, %sub3A_335 : vector<16xf32>
      %mul3A_337 = arith.mulf %get3A_296, %mul3A_336 : vector<16xf32>
      %add3A_338 = arith.addf %add3A_294, %mul3A_337 : vector<16xf32>
      %get3A_339 = arith.constant 112 : index
      %get3A_340 = tpu.vector_load %arg10[%get3A_339] {strides = array<i32>} : memref<128xf32, #tpu.memory_space<vmem>>, vector<16xf32>,
      %get3A_341 = arith.constant 112 : index
      %get3A_342 = tpu.vector_load %arg11[%get3A_341] {strides = array<i32>} : memref<128xf32, #tpu.memory_space<vmem>>, vector<16xf32>,
      %get3A_343 = arith.constant 112 : index
      %get3A_344 = tpu.vector_load %arg12[%get3A_343] {strides = array<i32>} : memref<128xf32, #tpu.memory_space<vmem>>, vector<16xf32>,
      %mul3A_345 = arith.mulf %get3A_342, %get3A_344 : vector<16xf32>
      %bitcast3A_346 = vector.bitcast %mul3A_345 : vector<16xf32> to vector<16xi32>
      %shift_right_arithmetic3A_347 = arith.constant 1 : i32
      %shift_right_arithmetic3A_348 = vector.broadcast %shift_right_arithmetic3A_347 : i32 to vector<16xi32>
      %shift_right_arithmetic3A_349 = arith.shrsi %bitcast3A_346, %shift_right_arithmetic3A_348 : vector<16xi32>
      %sub3A_350 = arith.constant 1597463007 : i32
      %sub3A_351 = vector.broadcast %sub3A_350 : i32 to vector<16xi32>
      %sub3A_352 = arith.subi %sub3A_351, %shift_right_arithmetic3A_349 : vector<16xi32>
      %bitcast3A_353 = vector.bitcast %sub3A_352 : vector<16xi32> to vector<16xf32>
      %mul3A_354 = arith.constant 5.000000e-01 : f32
      %mul3A_355 = vector.broadcast %mul3A_354 : f32 to vector<16xf32>
      %mul3A_356 = arith.mulf %mul3A_355, %mul3A_345 : vector<16xf32>
      %mul3A_357 = arith.mulf %mul3A_356, %bitcast3A_353 : vector<16xf32>
      %mul3A_358 = arith.mulf %mul3A_357, %bitcast3A_353 : vector<16xf32>
      %sub3A_359 = arith.constant 1.500000e+00 : f32
      %sub3A_360 = vector.broadcast %sub3A_359 : f32 to vector<16xf32>
      %sub3A_361 = arith.subf %sub3A_360, %mul3A_358 : vector<16xf32>
      %mul3A_362 = arith.mulf %bitcast3A_353, %sub3A_361 : vector<16xf32>
      %mul3A_363 = arith.constant 5.000000e-01 : f32
      %mul3A_364 = vector.broadcast %mul3A_363 : f32 to vector<16xf32>
      %mul3A_365 = arith.mulf %mul3A_364, %mul3A_345 : vector<16xf32>
      %mul3A_366 = arith.mulf %mul3A_365, %mul3A_362 : vector<16xf32>
      %mul3A_367 = arith.mulf %mul3A_366, %mul3A_362 : vector<16xf32>
      %sub3A_368 = arith.constant 1.500000e+00 : f32
      %sub3A_369 = vector.broadcast %sub3A_368 : f32 to vector<16xf32>
      %sub3A_370 = arith.subf %sub3A_369, %mul3A_367 : vector<16xf32>
      %mul3A_371 = arith.mulf %mul3A_362, %sub3A_370 : vector<16xf32>
      %mul3A_372 = arith.constant 5.000000e-01 : f32
      %mul3A_373 = vector.broadcast %mul3A_372 : f32 to vector<16xf32>
      %mul3A_374 = arith.mulf %mul3A_373, %mul3A_345 : vector<16xf32>
      %mul3A_375 = arith.mulf %mul3A_374, %mul3A_371 : vector<16xf32>
      %mul3A_376 = arith.mulf %mul3A_375, %mul3A_371 : vector<16xf32>
      %sub3A_377 = arith.constant 1.500000e+00 : f32
      %sub3A_378 = vector.broadcast %sub3A_377 : f32 to vector<16xf32>
      %sub3A_379 = arith.subf %sub3A_378, %mul3A_376 : vector<16xf32>
      %mul3A_380 = arith.mulf %mul3A_371, %sub3A_379 : vector<16xf32>
      %mul3A_381 = arith.mulf %get3A_340, %mul3A_380 : vector<16xf32>
      %add3A_382 = arith.addf %add3A_338, %mul3A_381 : vector<16xf32>
      scf.yield %add3A_382 : vector<16xf32>
    }
    %scan3A_10 = arith.constant 50 : i32
    %swap3A = arith.constant 0 : index
    %swap3A_11 = tpu.vector_load %arg13[%swap3A] {strides = array<i32>} : memref<16xf32, #tpu.memory_space<vmem>>, vector<16xf32>,
    tpu.vector_store %arg13[%swap3A], %scan3A_9 {strides = array<i32>} : memref<16xf32, #tpu.memory_space<vmem>>, vector<16xf32>,
    %mul3A_12 = arith.constant 16 : i32
    %mul3A_13 = arith.muli %add3A, %mul3A_12 : i32
    "tpu.region"() ({
      %run_scoped3A = tpu.sem_alloc : memref<!tpu.dma_semaphore, #tpu.memory_space<semaphore_mem>>
      %dma_start3A = tpu.memref_slice %arg5[%mul3A_13] : memref<512xf32, #tpu.memory_space<hbm>> -> memref<16xf32, #tpu.memory_space<hbm>>
      %dma_start3A_14 = tpu.memref_slice %arg5[%mul3A_13] : memref<512xf32, #tpu.memory_space<hbm>> -> memref<16xf32, #tpu.memory_space<hbm>>
      tpu.enqueue_dma source(%arg13 : memref<16xf32, #tpu.memory_space<vmem>>) target(%dma_start3A_14 : memref<16xf32, #tpu.memory_space<hbm>>) target_semaphore(%run_scoped3A : memref<!tpu.dma_semaphore, #tpu.memory_space<semaphore_mem>>)
      %dma_wait3A = tpu.memref_slice %arg5[%mul3A_13] : memref<512xf32, #tpu.memory_space<hbm>> -> memref<16xf32, #tpu.memory_space<hbm>>
      %dma_wait3A_15 = tpu.memref_slice %arg5[%mul3A_13] : memref<512xf32, #tpu.memory_space<hbm>> -> memref<16xf32, #tpu.memory_space<hbm>>
      tpu.wait_dma2 semaphore(%run_scoped3A : memref<!tpu.dma_semaphore, #tpu.memory_space<semaphore_mem>>) src(%arg13 : memref<16xf32, #tpu.memory_space<vmem>>) dst(%dma_wait3A_15 : memref<16xf32, #tpu.memory_space<hbm>>)
      tpu.yield
    }) : () -> ()
    return
  }
}

module attributes {stable_mosaic.version = 14 : i64} {
  func.func @body(%arg0: memref<1024x2xf32, #tpu.memory_space<vmem>>, %arg1: memref<1024x2xf32, #tpu.memory_space<vmem>>, %arg2: memref<1024x200xf32, #tpu.memory_space<vmem>>, %arg3: memref<4x128xf32, #tpu.memory_space<vmem>>, %arg4: memref<8x128xf32, #tpu.memory_space<vmem>>) attributes {dimension_semantics = [], scalar_prefetch = 0 : i64, scratch_operands = 0 : i64, tpu.core_type = #tpu.core_type<tc>} {
    %get3A = arith.constant 0 : index
    %get3A_0 = arith.constant 0 : index
    %get3A_1 = vector.load %arg0[%get3A, %get3A_0] : memref<1024x2xf32, #tpu.memory_space<vmem>>, vector<1024x2xf32>
    %get3A_2 = arith.constant 0 : index
    %get3A_3 = arith.constant 0 : index
    %get3A_4 = vector.load %arg1[%get3A_2, %get3A_3] : memref<1024x2xf32, #tpu.memory_space<vmem>>, vector<1024x2xf32>
    %slice3A = vector.extract_strided_slice %get3A_4 {offsets = [0, 1], sizes = [1024, 1], strides = [1, 1]} : vector<1024x2xf32> to vector<1024x1xf32>
    %slice3A_5 = vector.extract_strided_slice %get3A_4 {offsets = [0, 0], sizes = [1024, 1], strides = [1, 1]} : vector<1024x2xf32> to vector<1024x1xf32>
    %gt3A = arith.cmpf ogt, %slice3A, %slice3A_5 : vector<1024x1xf32>
    %slice3A_6 = vector.extract_strided_slice %get3A_1 {offsets = [0, 1], sizes = [1024, 1], strides = [1, 1]} : vector<1024x2xf32> to vector<1024x1xf32>
    %slice3A_7 = vector.extract_strided_slice %get3A_1 {offsets = [0, 0], sizes = [1024, 1], strides = [1, 1]} : vector<1024x2xf32> to vector<1024x1xf32>
    %select_n3A = arith.select %gt3A, %slice3A_6, %slice3A_7 : vector<1024x1xi1>, vector<1024x1xf32>
    %slice3A_8 = vector.extract_strided_slice %get3A_1 {offsets = [0, 0], sizes = [1024, 1], strides = [1, 1]} : vector<1024x2xf32> to vector<1024x1xf32>
    %slice3A_9 = vector.extract_strided_slice %get3A_1 {offsets = [0, 1], sizes = [1024, 1], strides = [1, 1]} : vector<1024x2xf32> to vector<1024x1xf32>
    %select_n3A_10 = arith.select %gt3A, %slice3A_8, %slice3A_9 : vector<1024x1xi1>, vector<1024x1xf32>
    %sub3A = arith.subf %select_n3A, %select_n3A_10 : vector<1024x1xf32>
    %add3A = arith.constant 5.000000e+00 : f32
    %add3A_11 = vector.broadcast %add3A : f32 to vector<1024x1xf32>
    %add3A_12 = arith.addf %sub3A, %add3A_11 : vector<1024x1xf32>
    %max3A = arith.constant 0.000000e+00 : f32
    %max3A_13 = vector.broadcast %max3A : f32 to vector<1024x1xf32>
    %max3A_14 = arith.maximumf %add3A_12, %max3A_13 : vector<1024x1xf32>
    %reduce_sum3A = vector.shape_cast %max3A_14 : vector<1024x1xf32> to vector<1x1024x1xf32>
    %reduce_sum3A_15 = arith.constant dense<0.000000e+00> : vector<1xf32>
    %reduce_sum3A_16 = vector.multi_reduction <add>, %reduce_sum3A, %reduce_sum3A_15 [1, 2] : vector<1x1024x1xf32> to vector<1xf32>
    %reduce_sum3A_17 = vector.shape_cast %reduce_sum3A_16 : vector<1xf32> to vector<1x1x1xf32>
    %reduce_sum3A_18 = vector.extract %reduce_sum3A_17[0, 0, 0] : f32 from vector<1x1x1xf32>
    %div3A = arith.constant 1.024000e+03 : f32
    %div3A_19 = arith.divf %reduce_sum3A_18, %div3A : f32
    %get3A_20 = arith.constant 0 : index
    %get3A_21 = arith.constant 0 : index
    %get3A_22 = vector.load %arg3[%get3A_20, %get3A_21] : memref<4x128xf32, #tpu.memory_space<vmem>>, vector<4x128xf32>
    %reduce_sum3A_23 = vector.shape_cast %get3A_22 : vector<4x128xf32> to vector<1x4x128xf32>
    %reduce_sum3A_24 = arith.constant dense<0.000000e+00> : vector<1xf32>
    %reduce_sum3A_25 = vector.multi_reduction <add>, %reduce_sum3A_23, %reduce_sum3A_24 [1, 2] : vector<1x4x128xf32> to vector<1xf32>
    %reduce_sum3A_26 = vector.shape_cast %reduce_sum3A_25 : vector<1xf32> to vector<1x1x1xf32>
    %reduce_sum3A_27 = vector.extract %reduce_sum3A_26[0, 0, 0] : f32 from vector<1x1x1xf32>
    %div3A_28 = arith.constant 2.048000e+05 : f32
    %div3A_29 = arith.divf %reduce_sum3A_27, %div3A_28 : f32
    %get3A_30 = arith.constant 0 : index
    %get3A_31 = arith.constant 0 : index
    %get3A_32 = vector.load %arg2[%get3A_30, %get3A_31] : memref<1024x200xf32, #tpu.memory_space<vmem>>, vector<1024x200xf32>
    %reduce_sum3A_33 = vector.shape_cast %get3A_32 : vector<1024x200xf32> to vector<1x1024x200xf32>
    %reduce_sum3A_34 = arith.constant dense<0.000000e+00> : vector<1xf32>
    %reduce_sum3A_35 = vector.multi_reduction <add>, %reduce_sum3A_33, %reduce_sum3A_34 [1, 2] : vector<1x1024x200xf32> to vector<1xf32>
    %reduce_sum3A_36 = vector.shape_cast %reduce_sum3A_35 : vector<1xf32> to vector<1x1x1xf32>
    %reduce_sum3A_37 = vector.extract %reduce_sum3A_36[0, 0, 0] : f32 from vector<1x1x1xf32>
    %div3A_38 = arith.constant 1.024000e+03 : f32
    %div3A_39 = arith.divf %reduce_sum3A_37, %div3A_38 : f32
    %sub3A_40 = arith.constant 5.000000e+01 : f32
    %sub3A_41 = arith.subf %div3A_39, %sub3A_40 : f32
    %sub3A_42 = arith.constant 5.000000e+01 : f32
    %sub3A_43 = arith.subf %div3A_39, %sub3A_42 : f32
    %mul3A = arith.mulf %sub3A_41, %sub3A_43 : f32
    %add3A_44 = arith.constant 1.000000e+00 : f32
    %add3A_45 = arith.addf %mul3A, %add3A_44 : f32
    %sub3A_46 = arith.subf %div3A_19, %div3A_29 : f32
    %add3A_47 = arith.addf %sub3A_46, %add3A_45 : f32
    %iota3A = tpu.iota {dimensions = array<i32: 1>} : vector<8x128xi32>
    %eq3A = arith.constant 0 : i32
    %eq3A_48 = vector.broadcast %eq3A : i32 to vector<8x128xi32>
    %eq3A_49 = arith.cmpi eq, %iota3A, %eq3A_48 : vector<8x128xi32>
    %eq3A_50 = arith.constant 1 : i32
    %eq3A_51 = vector.broadcast %eq3A_50 : i32 to vector<8x128xi32>
    %eq3A_52 = arith.cmpi eq, %iota3A, %eq3A_51 : vector<8x128xi32>
    %eq3A_53 = arith.constant 2 : i32
    %eq3A_54 = vector.broadcast %eq3A_53 : i32 to vector<8x128xi32>
    %eq3A_55 = arith.cmpi eq, %iota3A, %eq3A_54 : vector<8x128xi32>
    %eq3A_56 = arith.constant 3 : i32
    %eq3A_57 = vector.broadcast %eq3A_56 : i32 to vector<8x128xi32>
    %eq3A_58 = arith.cmpi eq, %iota3A, %eq3A_57 : vector<8x128xi32>
    %jit3A = arith.constant 0.000000e+00 : f32
    %broadcast_in_dim3A = vector.broadcast %add3A_45 : f32 to vector<8x128xf32>
    %broadcast_in_dim3A_59 = vector.broadcast %jit3A : f32 to vector<8x128xf32>
    %select_n3A_60 = arith.select %eq3A_58, %broadcast_in_dim3A, %broadcast_in_dim3A_59 : vector<8x128xi1>, vector<8x128xf32>
    %broadcast_in_dim3A_61 = vector.broadcast %div3A_29 : f32 to vector<8x128xf32>
    %select_n3A_62 = arith.select %eq3A_55, %broadcast_in_dim3A_61, %select_n3A_60 : vector<8x128xi1>, vector<8x128xf32>
    %broadcast_in_dim3A_63 = vector.broadcast %div3A_19 : f32 to vector<8x128xf32>
    %select_n3A_64 = arith.select %eq3A_52, %broadcast_in_dim3A_63, %select_n3A_62 : vector<8x128xi1>, vector<8x128xf32>
    %broadcast_in_dim3A_65 = vector.broadcast %add3A_47 : f32 to vector<8x128xf32>
    %select_n3A_66 = arith.select %eq3A_49, %broadcast_in_dim3A_65, %select_n3A_64 : vector<8x128xi1>, vector<8x128xf32>
    %swap3A = arith.constant 0 : index
    %swap3A_67 = arith.constant 0 : index
    %swap3A_68 = vector.load %arg4[%swap3A, %swap3A_67] : memref<8x128xf32, #tpu.memory_space<vmem>>, vector<8x128xf32>
    tpu.vector_store %arg4[%swap3A, %swap3A_67], %select_n3A_66 {strides = array<i32>} : memref<8x128xf32, #tpu.memory_space<vmem>>, vector<8x128xf32>,
    return
  }
}

</mosaic_0001>

<sc_bundles>
// kernel: kernel.4.cloned.1.call-start
scs
__scs_entry_jumppad:
0x0: {  	(pc) =	sbr.rel $0x88, $3  }
0x1: {  	(tag) =	ssettag $0x0;
	lr =	simm.s32 $0x1  }
0x2: {  	[smem:$0x3F9B] =	sst lr;
	_ =	strace $0xD0000000  }
0x3: {  	_ = 	snop  }
0x4: {  	_ = 	snop  }
0x5: {  	_ = 	snop  }
0x6: {  	_ = 	snop  }
0x7: {  	_ = 	snop  }
__scs_overlays_trampoline_lowered:
0x8: {  	[smem:$0x3FAA] =	sst s0  }
0x9: {  	[smem:$0x3FAB] =	sst s1  }
0xa: {  	[smem:$0x3FAC] =	sst s2  }
0xb: {  	[smem:$0x3FAD] =	sst s3  }
0xc: {  	[smem:$0x3FAE] =	sst s4  }
0xd: {  	[smem:$0x3FAF] =	sst s5  }
0xe: {  	[smem:$0x3FB0] =	sst s6  }
0xf: {  	[smem:$0x3FB1] =	sst s7  }
0x10: {  	[smem:$0x3FB2] =	sst s8  }
0x11: {  	[smem:$0x3FB3] =	sst s9;
	s0 =	simm.s32 @!p0 $0x0  }
0x12: {  	s1 =	sld [smem:$0x3F99];
	s0 =	simm.s32 @p0 $0x1  }
0x13: {  	[smem:$0x3FB4] =	sst s0;
	s0 =	simm.s32 @!p1 $0x0  }
0x14: {  	s2 =	sld [smem:$0x3F98];
	s0 =	simm.s32 @p1 $0x1  }
0x15: {  	[smem:$0x3FB5] =	sst s0;
	s0 =	simm.s32 @!p2 $0x0  }
0x16: {  	s3 =	sld [smem:$0x3FDB];
	s0 =	simm.s32 @p2 $0x1  }
0x17: {  	s4 =	simm.s32 $0x1BF5;
	[smem:$0x3FB7] =	sst s0  }
0x18: {  	s0 =	sld [smem:$0x3F9A];
	_ =	swait.ge [sflag:s4], $0x0  }
0x19: {  	s7 =	sld [smem:$0x3F9B]  }
0x1a: {  	s8 =	sadd.s32 $0xFFFFE003, lr  }
0x1b: {  	s9 =	sadd.s32 $0xFFFFFEF7, lr;
	s5 =	simm.s32 $0xFFFFFFFF;
	p2 =	slt.u32 s8, $0xFFFFF086  }
0x1c: {  	p1 =	slt.u32 s9, $0xF7A;
	s5 =	simm.s32 @!p2 $0x0  }
0x1d: {  	s5 =	simm.s32 @p1 $0x1;
	p0 =	seq.s32 s7, s2  }
0x1e: {  	s7 =	smul.u32 @!p0 $0xF7A, s2;
	p2 =	seq.s32 @!p0 s5, $0x0  }
0x1f: {  	s9 =	smul.u32 $0xF7A, s1;
	s8 =	simm.s32 @!p0 $0x1BF5;
	p2 =	por !p2, p0  }
0x20: {  	[sflag:s8] =	ssyncset.s32 @!p0 $0xFFFFF086;
	s6 =	sadd.s32 @!p0 s3, s7;
	s7 =	simm.s32 @!p0 $0x108  }
0x21: {  	s3 =	sadd.s32 s3, s9;
	s6 =	sadd.s32 @!p0 $0x88, s6;
	s7 =	simm.s32 @p2 $0x1082  }
0x22: {  	[simem:s7], [sflag:s8] =	dma.local @!p0 [hbm:s6], $0xF7A  }
0x23: {  	s9 =	sor.u32 $0xD0000000, s2;
	s6 =	simm.s32 $0x108;
	_ =	swait.ge @!p0 [sflag:s8], $0x0  }
0x24: {  	s3 =	sadd.s32 $0x88, s3;
	s6 =	simm.s32 @!p1 $0x1082;
	[sflag:s4] =	ssyncset.s32 $0xFFFFF086  }
0x25: {  	[simem:s6], [sflag:s4] =	dma.local [hbm:s3], $0xF7A  }
0x26: {  	[smem:$0x3F9B] =	sst s1;
	(tag) =	ssettag s2;
	_ =	strace s9  }
0x27: {  	s1 =	sld [smem:$0x3FAB]  }
0x28: {  	s2 =	sld [smem:$0x3FAC]  }
0x29: {  	s4 =	sld [smem:$0x3FAE]  }
0x2a: {  	p0 =	seq.s32 s5, $0x0;
	s5 =	sld [smem:$0x3FAF]  }
0x2b: {  	s6 =	sld [smem:$0x3FB0]  }
0x2c: {  	s7 =	sld [smem:$0x3FB1]  }
0x2d: {  	s3 =	simm.s32 $0x108;
	s8 =	sld [smem:$0x3FB2]  }
0x2e: {  	s3 =	simm.s32 @!p0 $0x1082;
	s9 =	sld [smem:$0x3FB3]  }
0x2f: {  	lr =	sadd.s32 s0, s3;
	s0 =	sld [smem:$0x3FAA]  }
0x30: {  	s3 =	sld [smem:$0x3FAD]  }
0x31: {  	[smem:$0x3FB6] =	sst s10  }
0x32: {  	s10 =	sld [smem:$0x3FB4];
	_ =	sdelay $0x3  }
0x33: {  	p0 =	seq.s32 s10, $0x1;
	s10 =	sld [smem:$0x3FB6];
	_ =	sdelay $0x3  }
0x34: {  	[smem:$0x3FB6] =	sst s10  }
0x35: {  	s10 =	sld [smem:$0x3FB5];
	_ =	sdelay $0x3  }
0x36: {  	p1 =	seq.s32 s10, $0x1;
	s10 =	sld [smem:$0x3FB6];
	_ =	sdelay $0x3  }
0x37: {  	[smem:$0x3FB6] =	sst s10  }
0x38: {  	s10 =	sld [smem:$0x3FB7]  }
0x39: {  	_ = 	snop;
	(pc) =	sbr.ind lr, $3  }
0x3a: {  	_ = 	snop  }
0x3b: {  	_ = 	snop  }
0x3c: {  	p2 =	seq.s32 s10, $0x1;
	s10 =	sld [smem:$0x3FB6]  }
0x3d: {  	_ =	shalt  }
0x3e: {  	_ =	shalt  }
0x3f: {  	_ =	shalt  }
0x40: {  	_ =	shalt  }
0x41: {  	_ =	shalt  }
0x42: {  	_ =	shalt  }
0x43: {  	_ =	shalt  }
0x44: {  	_ =	shalt  }
0x45: {  	_ =	shalt  }
0x46: {  	_ =	shalt  }
0x47: {  	_ =	shalt  }
0x48: {  	_ =	shalt  }
0x49: {  	_ =	shalt  }
0x4a: {  	_ =	shalt  }
0x4b: {  	_ =	shalt  }
0x4c: {  	_ =	shalt  }
0x4d: {  	_ =	shalt  }
0x4e: {  	_ =	shalt  }
0x4f: {  	_ =	shalt  }
0x50: {  	_ =	shalt  }
0x51: {  	_ =	shalt  }
0x52: {  	_ =	shalt  }
0x53: {  	_ =	shalt  }
0x54: {  	_ =	shalt  }
0x55: {  	_ =	shalt  }
0x56: {  	_ =	shalt  }
0x57: {  	_ =	shalt  }
0x58: {  	_ =	shalt  }
0x59: {  	_ =	shalt  }
0x5a: {  	_ =	shalt  }
0x5b: {  	_ =	shalt  }
0x5c: {  	_ =	shalt  }
0x5d: {  	_ =	shalt  }
0x5e: {  	_ =	shalt  }
0x5f: {  	_ =	shalt  }
0x60: {  	_ =	shalt  }
0x61: {  	_ =	shalt  }
0x62: {  	_ =	shalt  }
0x63: {  	_ =	shalt  }
0x64: {  	_ =	shalt  }
0x65: {  	_ =	shalt  }
0x66: {  	_ =	shalt  }
0x67: {  	_ =	shalt  }
0x68: {  	_ =	shalt  }
0x69: {  	_ =	shalt  }
0x6a: {  	_ =	shalt  }
0x6b: {  	_ =	shalt  }
0x6c: {  	_ =	shalt  }
0x6d: {  	_ =	shalt  }
0x6e: {  	_ =	shalt  }
0x6f: {  	_ =	shalt  }
0x70: {  	_ =	shalt  }
0x71: {  	_ =	shalt  }
0x72: {  	_ =	shalt  }
0x73: {  	_ =	shalt  }
0x74: {  	_ =	shalt  }
0x75: {  	_ =	shalt  }
0x76: {  	_ =	shalt  }
0x77: {  	_ =	shalt  }
0x78: {  	_ =	shalt  }
0x79: {  	_ =	shalt  }
0x7a: {  	_ =	shalt  }
0x7b: {  	_ =	shalt  }
0x7c: {  	_ =	shalt  }
0x7d: {  	_ =	shalt  }
0x7e: {  	_ =	shalt  }
0x7f: {  	_ =	shalt  }
0x80: {  	_ =	shalt  }
0x81: {  	_ =	shalt  }
0x82: {  	_ =	shalt  }
0x83: {  	_ =	shalt  }
0x84: {  	_ =	shalt  }
0x85: {  	_ =	shalt  }
0x86: {  	_ =	shalt  }
0x87: {  	_ =	shalt  }
.Lfunc_end0:
.L_simem_size_0:
called_computation_lowered:
.L_overlay_start_0:
0x88: {  	s2 =	sld [smem:$0x3FD9]  }
0x89: {  	s3 =	sld [smem:$0x3FFE];
	_ =	sdelay $0x1  }
0x8a: {  	s1 =	srdreg.scid  }
0x8b: {  	s0 =	sand.u32 $0x1, s1  }
0x8c: {  	s17 =	sshll.u32 s0, $0xA;
	s2 =	sadd.s32 s3, s2  }
0x8d: {  	s2 =	sadd.s32 s2, s17  }
0x8e: {  	[smem:$0x3FC2] =	sst s2  }
0x8f: {  	_ = 	snop  }
0x90: {  	s2 =	sld [smem:$0x3FC4];
	(tm) =	ssettm $0x1  }
0x91: {  	s18 =	sld [smem:$0x3FFB];
	_ =	sdelay $0x3  }
0x92: {  	_ =	strace s18  }
0x93: {  	s3 =	sld [smem:$0x3FFC];
	_ =	sdelay $0x3  }
0x94: {  	_ =	strace s3  }
0x95: {  	s3 =	sld [smem:$0x3FFD];
	_ =	sdelay $0x3  }
0x96: {  	_ =	strace s3  }
0x97: {  	_ =	strace $0x8FFFFFFF  }
0x98: {  	s19 =	sld [smem:$0x3FDB];
	_ =	sdelay $0x1  }
0x99: {  	s4 =	simm.s32 $_scs_section_size  }
0x9a: {  	s5 =	simm.s32 $_size__tile_overlayer_lowered;
	s6 =	simm.s32 $_tile_overlayer_lowered  }
0x9b: {  	s22 =	simm.s32 $0x1BFF;
	s21 =	sshll.u32 s6, $0x1;
	s3 =	sadd.s32 s4, s19  }
0x9c: {  	s7 =	simm.s32 $0x0;
	s20 =	sshll.u32 s5, $0x1;
	s5 =	sadd.s32 s21, s3  }
0x9d: {  	[timem:s7], [sflag:s22] =	dma.local [hbm:s5], s20  }
0x9e: {  	_ =	swait.ge [sflag:s22], s20  }
0x9f: {  	s4 =	ssub.s32 $0x0, s20;
	[sflag:s22] =	ssyncset.done $0x0  }
0xa0: {  	[sflag:s22] =	ssyncadd.s32 s4;
	_ =	sdelay $0x1  }
0xa1: {  	s23 =	simm.s32 $0x1B8B  }
0xa2: {  	_ =	swait.ge [sflag:s23], $0x1  }
0xa3: {  	[sflag:s23] =	ssyncset.done $0x0  }
0xa4: {  	s25 =	simm.s32 $0x1B8E;
	s24 =	sld [smem:$0x3FFE];
	[sflag:s23] =	ssyncadd.s32 $0xFFFFFFFF  }
0xa5: {  	s26 =	simm.s32 $execute0_lowered;
	[smem:$0x3FD2] =	sst s25  }
0xa6: {  	s5 =	sshll.u32 s26, $0x1;
	_ =	strace $0x80000046;
	[dreg:$0x1] =	wrdreg $0xFFFFFFFF  }
0xa7: {  	s28 =	simm.s32 $_size_execute0_lowered;
	s3 =	sadd.s32 s3, s5;
	[dreg:$0x0] =	wrdreg $0x0  }
0xa8: {  	s5 =	sshll.u32 s28, $0x1;
	[dreg:$0x2] =	wrdreg s3  }
0xa9: {  	[dreg:$0x3] =	wrdreg s5  }
0xaa: {  	[dreg:$0x4] =	wrdreg $0xC0  }
0xab: {  	_ =	task [dreg:s7], $0x5FFFF  }
0xac: {  	[dreg:$0x1] =	wrdreg $0xFFFFFFFF  }
0xad: {  	[dreg:$0x0] =	wrdreg $0x60  }
0xae: {  	[dreg:$0x2] =	wrdreg s2  }
0xaf: {  	[dreg:$0x3] =	wrdreg s24  }
0xb0: {  	[dreg:$0x4] =	wrdreg $0x9  }
0xb1: {  	_ =	task.clear_ibuf [dreg:s7], $0x5FFFF;
	_ =	strace $0x90000046  }
0xb2: {  	s29 =	simm.s32 $0x9;
	_ =	strace $0x80000048  }
0xb3: {  	_ =	swait.ge [sflag:s29], $0x1  }
0xb4: {  	[sflag:s29] =	ssyncadd.s32 $0xFFFFFFFF  }
0xb5: {  	_ =	strace $0x90000048  }
0xb6: {  	_ =	sfence  }
0xb7: {  	s30 =	sld [smem:$0x0];
	_ =	sdelay $0x2  }
0xb8: {  	s31 =	sshll.u32 s1, $0xD;
	s1 =	sshrl.u32 s1, $0x2  }
0xb9: {  	s3 =	sand.u32 $0x4000, s31;
	s1 =	sadd.s32 s1, s30  }
0xba: {  	s0 =	sor.u32 s3, s0;
	s1 =	sshll.u32 s1, $0x11  }
0xbb: {  	s0 =	sor.u32 s1, s0  }
0xbc: {  	s0 =	sadd.s32 $0x8F2B, s0  }
0xbd: {  	[sflag:s0] =	ssyncadd.remote.s32 $0x1  }
0xbe: {  	_ =	sfence.sel $0xFFFF  }
0xbf: {  	[dreg:$0x0] =	wrdreg $0xFFFFFFFF;
	(pc) =	sbr.abs _section_cstart, $3  }
0xc0: {  	[dreg:$0x1] =	wrdreg $0xFFFFFFFF  }
0xc1: {  	_ =	task.clear_ibuf [dreg:s7], $0x2FFFF;
	_ =	strace $0x9FFFFFFF  }
0xc2: {  	(tm) =	ssettm $0x7FFFFFFF  }
0xc3: {  	_ =	shalt  }
tec
execute0_lowered:
.L_overlay_start_1:
0x0: {  	(tag) =	ssettag $0x1  }
0x1: {  	s1 =	rddreg [dreg:$0x0]  }
0x2: {  	s6 =	rddreg [dreg:$0x1]  }
0x3: {  	s0 =	rddreg [dreg:$0x2];
	s3 =	simm.s32 $0x0;
	s4 =	srdreg.scid  }
0x4: {  	s2 =	stileid.u32;
	s10 =	simm.s32 $0x80;
	s11 =	simm.s32 $0x100  }
0x5: {  	s12 =	simm.s32 $0x4100;
	s13 =	simm.s32 $0x1;
	s14 =	simm.s32 $0x2  }
0x6: {  	s15 =	simm.s32 $0x8100;
	s16 =	simm.s32 $0x8180;
	s17 =	simm.s32 $0x8200  }
0x7: {  	s18 =	simm.s32 $0x8280;
	s19 =	simm.s32 $0x0;
	[smem:$0x7FF] =	sst s3  }
0x8: {  	s5 =	sand.u32 $0x1, s4;
	s30 =	sshll.u32 s2, $0x1;
	s4 =	sadd.s32 $0xE00, s6  }
0x9: {  	_ =	strace $0x80000047;
	s7 =	sor.u32 s5, s30;
	s9 =	ssub.s32 $0x2, s5  }
0xa: {  	s5 =	sadd.s32 $0x7200, s6;
	s8 =	sshll.u32 s7, $0x1;
	s31 =	sshrl.u32 s9, $0x1  }
0xb: {  	s8 =	sadd.s32 s8, s6;
	s9 =	ssub.s32 s9, s31;
	s6 =	smul.u32 $0x32, s7  }
0xc: {  	vm0 =	vcmask $0x3F3C;
	s7 =	sadd.s32 $0xD600, s8;
	s8 =	smax.u32 s9, $0x1;
	s9 =	simm.s32 $0x3  }
.LBB2_1:
0xd: {  	v0 =	vimm.f32 $0.0e+00;
	s20 =	simm.s32 $0x0  }
.LBB2_2:
0xe: {  	s21 =	sadd.s32 s6, s20  }
0xf: {  	s22 =	sshll.u32 s21, $0x4  }
0x10: {  	s21 =	simm.s32 $0x0;
	s23 =	sadd.s32 s4, s22  }
0x11: {  	[tilespmem:s21], [sflag:$0x3] =	stream.linear.gather [hbm4b:s23+s21], $0x80, $0x38;
	[tilespmem:$0x8300] =	vst v63  }
0x12: {  	_ =	swait.ge [sflag:s9], $0x80  }
0x13: {  	[sflag:s9] =	ssyncset.done $0x0  }
0x14: {  	s22 =	sadd.s32 s5, s22;
	[sflag:s9] =	ssyncadd.s32 $0xFFFFFF80  }
0x15: {  	[tilespmem:s10], [sflag:$0x3] =	stream.linear.gather [hbm4b:s22+s21], $0x80, $0x38;
	[tilespmem:$0x8300] =	vst v63  }
0x16: {  	_ =	swait.ge [sflag:s9], $0x80  }
0x17: {  	[sflag:s9] =	ssyncset.done $0x0  }
0x18: {  	[sflag:s9] =	ssyncadd.s32 $0xFFFFFF80  }
0x19: {  	[tilespmem:s11], [sflag:$0x1] =	stream.indirect.gather [hbm4b:s1+s10], $0x80, s21, s10, $0xb8;
	[tilespmem:$0x8300] =	vst v63  }
0x1a: {  	_ = 	snop  }
0x1b: {  	[tilespmem:s12], [sflag:$0x2] =	stream.indirect.gather [hbm4b:s1+s10], $0x80, s10, s10, $0xb8;
	[tilespmem:$0x8300] =	vst v63  }
0x1c: {  	_ =	swait.ge [sflag:s13], $0x4000  }
0x1d: {  	[sflag:s13] =	ssyncset.done $0x0  }
0x1e: {  	[sflag:s13] =	ssyncadd.s32 $0xFFFFC000  }
0x1f: {  	_ =	swait.ge [sflag:s14], $0x4000  }
0x20: {  	[sflag:s14] =	ssyncset.done $0x0  }
0x21: {  	s23 =	simm.s32 $0x4140;
	[sflag:s14] =	ssyncadd.s32 $0xFFFFC000  }
0x22: {  	s22 =	simm.s32 $0x140;
	v6 =	vld [tilespmem:s23+$0xFFFFFFD0]  }
0x23: {  	v10 =	vld [tilespmem:s22+$0xFFFFFFC0]  }
0x24: {  	v11 =	vld [tilespmem:s22+$0xFFFFFFD0]  }
0x25: {  	v8 =	vld [tilespmem:s23+$0xFFFFFFC0]  }
0x26: {  	v4 =	vld [tilespmem:s23+$0xFFFFFFE0]  }
0x27: {  	v9 =	vld [tilespmem:s22+$0xFFFFFFE0]  }
0x28: {  	v3 =	vld [tilespmem:s23+$0xFFFFFFF0]  }
0x29: {  	v7 =	vld [tilespmem:s22+$0xFFFFFFF0]  }
0x2a: {  	v2 =	vld [tilespmem:s23+$0x0]  }
0x2b: {  	v5 =	vld [tilespmem:s22+$0x0];
	v12 =	vmul.f32 v8, v10;
	v13 =	vmul.f32 v6, v11  }
0x2c: {  	s24 =	simm.s32 $0x1;
	v1 =	vld [tilespmem:s23+$0x10]  }
.LBB2_3:
0x2d: {  	p0 =	sne.s32 s24, $0x7F;
	v12 =	vadd.f32 v13, v12;
	v13 =	vmul.f32 v4, v9;
	v14 =	vld [tilespmem:s22+$0x10]  }
0x2e: {  	v10 =	vmul.f32 v10, v10;
	v11 =	vmul.f32 v11, v11;
	v15 =	vld [tilespmem:s23+$0x20]  }
0x2f: {  	v12 =	vadd.f32 v13, v12;
	v13 =	vmul.f32 v3, v7;
	v16 =	vld [tilespmem:s22+$0x20]  }
0x30: {  	v9 =	vmul.f32 v9, v9;
	v10 =	vadd.f32 v11, v10;
	v11 =	vmul.f32 v2, v5;
	v17 =	vld [tilespmem:s23+$0x30]  }
0x31: {  	v8 =	vmul.f32 v8, v8;
	v6 =	vmul.f32 v6, v6;
	v12 =	vadd.f32 v13, v12;
	v13 =	vld [tilespmem:s22+$0x30]  }
0x32: {  	v7 =	vmul.f32 v7, v7;
	v9 =	vadd.f32 v9, v10;
	v10 =	vmul.f32 v1, v14  }
0x33: {  	v4 =	vmul.f32 v4, v4;
	v6 =	vadd.f32 v6, v8;
	v8 =	vadd.f32 v11, v12  }
0x34: {  	v5 =	vmul.f32 v5, v5;
	v7 =	vadd.f32 v7, v9;
	v9 =	vmul.f32 v15, v16  }
0x35: {  	v3 =	vmul.f32 v3, v3;
	v4 =	vadd.f32 v4, v6;
	v6 =	vadd.f32 v10, v8  }
0x36: {  	v5 =	vadd.f32 v5, v7;
	v7 =	vmul.f32 v14, v14;
	v8 =	vmul.f32 v17, v13  }
0x37: {  	v2 =	vmul.f32 v2, v2;
	v3 =	vadd.f32 v3, v4;
	v4 =	vadd.f32 v9, v6  }
0x38: {  	v5 =	vadd.f32 v7, v5;
	v6 =	vmul.f32 v16, v16  }
0x39: {  	v1 =	vmul.f32 v1, v1;
	v2 =	vadd.f32 v2, v3;
	v3 =	vadd.f32 v8, v4  }
0x3a: {  	v4 =	vadd.f32 v6, v5;
	v5 =	vmul.f32 v13, v13  }
0x3b: {  	v1 =	vadd.f32 v1, v2;
	v2 =	vmul.f32 v15, v15;
	(xrf2) =	vadd.scan.msk.f32 $0xffff, v3  }
0x3c: {  	v3 =	vadd.f32 v5, v4  }
0x3d: {  	v1 =	vadd.f32 v2, v1;
	v2 =	vmul.f32 v17, v17  }
0x3e: {  	(xrf2) =	vadd.scan.msk.f32 $0xffff, v3  }
0x3f: {  	v1 =	vadd.f32 v2, v1;
	_ =	sdelay $0x1  }
0x40: {  	(xrf2) =	vadd.scan.msk.f32 $0xffff, v1;
	_ =	sdelay $0x3  }
0x41: {  	v1 =	vmov s21;
	s21 =	smov.u32 s24;
	v2, _, _ =	vpop (xrf2);
	_ =	sdelay $0x2  }
0x42: {  	v3, _, _ =	vpop (xrf2);
	_ =	sdelay $0x1  }
0x43: {  	[tilespmem:v1+s15+$0x0] =	vst.idx.msk vm0, v2  }
0x44: {  	[tilespmem:v1+s16+$0x0] =	vst.idx.msk vm0, v3;
	v2, _, _ =	vpop (xrf2)  }
0x45: {  	s23 =	sadd.s32 $0x80, s23;
	[tilespmem:v1+s17+$0x0] =	vst.idx.msk vm0, v2  }
0x46: {  	s22 =	sadd.s32 $0x80, s22;
	v6 =	vld [tilespmem:s23+$0xFFFFFFD0]  }
0x47: {  	v10 =	vld [tilespmem:s22+$0xFFFFFFC0]  }
0x48: {  	v11 =	vld [tilespmem:s22+$0xFFFFFFD0]  }
0x49: {  	v8 =	vld [tilespmem:s23+$0xFFFFFFC0]  }
0x4a: {  	v4 =	vld [tilespmem:s23+$0xFFFFFFE0]  }
0x4b: {  	v9 =	vld [tilespmem:s22+$0xFFFFFFE0]  }
.Ltmp0:
0x4c: {  	v3 =	vld [tilespmem:s23+$0xFFFFFFF0];
	(pc) =	sbr.rel @p0 .LBB2_3-.Ltmp0, $4  }
0x4d: {  	v7 =	vld [tilespmem:s22+$0xFFFFFFF0]  }
0x4e: {  	v2 =	vld [tilespmem:s23+$0x0]  }
0x4f: {  	v13 =	vmul.f32 v6, v11;
	v12 =	vmul.f32 v8, v10;
	v5 =	vld [tilespmem:s22+$0x0]  }
0x50: {  	s24 =	sadd.s32 $0x1, s24;
	v1 =	vld [tilespmem:s23+$0x10]  }
0x51: {  	v14 =	vmul.f32 v4, v9  }
0x52: {  	v10 =	vmul.f32 v10, v10;
	v11 =	vmul.f32 v11, v11  }
0x53: {  	v12 =	vadd.f32 v13, v12;
	v30 =	vld [tilespmem:s22+$0x10];
	v8 =	vmul.f32 v8, v8;
	v6 =	vmul.f32 v6, v6  }
0x54: {  	v15 =	vld [tilespmem:s23+$0x20];
	v31 =	vmul.f32 v9, v9;
	v34 =	vmul.f32 v4, v4;
	v10 =	vadd.f32 v11, v10  }
0x55: {  	v33 =	vld [tilespmem:s22+$0x20];
	v32 =	vmul.f32 v3, v7;
	v12 =	vadd.f32 v14, v12;
	v6 =	vadd.f32 v6, v8  }
0x56: {  	v16 =	vld [tilespmem:s23+$0x30];
	v36 =	vmul.f32 v7, v7;
	v3 =	vmul.f32 v3, v3;
	v9 =	vadd.f32 v31, v10  }
0x57: {  	v38 =	vld [tilespmem:s22+$0x30];
	v35 =	vmul.f32 v2, v5;
	v37 =	vadd.f32 v32, v12;
	v4 =	vadd.f32 v34, v6  }
0x58: {  	v40 =	vmul.f32 v5, v5;
	v2 =	vmul.f32 v2, v2;
	v7 =	vadd.f32 v36, v9  }
0x59: {  	v39 =	vmul.f32 v1, v30;
	v8 =	vadd.f32 v35, v37;
	v3 =	vadd.f32 v3, v4  }
0x5a: {  	v41 =	vmul.f32 v15, v33;
	v42 =	vmul.f32 v30, v30;
	v5 =	vadd.f32 v40, v7  }
0x5b: {  	v1 =	vmul.f32 v1, v1;
	v6 =	vadd.f32 v39, v8;
	v2 =	vadd.f32 v2, v3  }
0x5c: {  	v43 =	vmul.f32 v33, v33;
	v3 =	vmul.f32 v16, v38;
	v5 =	vadd.f32 v42, v5  }
0x5d: {  	v4 =	vadd.f32 v41, v6;
	v1 =	vadd.f32 v1, v2;
	v2 =	vmul.f32 v15, v15  }
0x5e: {  	v44 =	vmul.f32 v38, v38;
	v5 =	vadd.f32 v43, v5  }
0x5f: {  	v3 =	vadd.f32 v3, v4;
	v1 =	vadd.f32 v2, v1;
	v2 =	vmul.f32 v16, v16  }
0x60: {  	v45 =	vadd.f32 v44, v5  }
0x61: {  	(xrf2) =	vadd.scan.msk.f32 $0xffff, v3;
	v1 =	vadd.f32 v2, v1  }
0x62: {  	(xrf2) =	vadd.scan.msk.f32 $0xffff, v45  }
0x63: {  	(xrf2) =	vadd.scan.msk.f32 $0xffff, v1;
	_ =	sdelay $0x3  }
0x64: {  	v1 =	vmov s21;
	_ =	sdelay $0x3  }
0x65: {  	v2, _, _ =	vpop (xrf2)  }
0x66: {  	[tilespmem:v1+s15+$0x0] =	vst.idx.msk vm0, v2;
	v3, _, _ =	vpop (xrf2)  }
0x67: {  	[tilespmem:v1+s16+$0x0] =	vst.idx.msk vm0, v3;
	v2, _, _ =	vpop (xrf2)  }
0x68: {  	[tilespmem:v1+s17+$0x0] =	vst.idx.msk vm0, v2  }
0x69: {  	v1 =	vld [tilespmem:$0x8180]  }
0x6a: {  	v2 =	vld [tilespmem:$0x8200]  }
0x6b: {  	v3 =	vld [tilespmem:$0x8190]  }
0x6c: {  	v46 =	vld [tilespmem:$0x8210];
	_ =	sdelay $0x2  }
0x6d: {  	v1 =	vmul.f32 v2, v1;
	_ =	sdelay $0x1  }
0x6e: {  	v3 =	vmul.f32 v46, v3;
	v2 =	vshra.s32 v1, $0x1;
	v1 =	vmul.f32 $5.000000000e-01, v1  }
0x6f: {  	v2 =	vsub.s32 $0x5F3759DF, v2  }
0x70: {  	v48 =	vshra.s32 v3, $0x1;
	v3 =	vmul.f32 $5.000000000e-01, v3;
	v47 =	vmul.f32 v2, v1  }
0x71: {  	v5 =	vsub.s32 $0x5F3759DF, v48  }
0x72: {  	v49 =	vmul.f32 v5, v3;
	v4 =	vmul.f32 v2, v47  }
0x73: {  	v50 =	vld [tilespmem:$0x81A0]  }
0x74: {  	v51 =	vld [tilespmem:$0x8220];
	v6 =	vmul.f32 v5, v49;
	v4 =	vsub.f32 $1.500000000e+00, v4  }
0x75: {  	v56 =	vld [tilespmem:$0x81B0]  }
0x76: {  	v57 =	vld [tilespmem:$0x8230];
	v52 =	vsub.f32 $1.500000000e+00, v6;
	v2 =	vmul.f32 v2, v4  }
0x77: {  	v20 =	vld [tilespmem:$0x81C0]  }
0x78: {  	v23 =	vld [tilespmem:$0x8240];
	v4 =	vmul.f32 v5, v52;
	v53 =	vmul.f32 v2, v1  }
0x79: {  	v27 =	vld [tilespmem:$0x81E0]  }
0x7a: {  	v29 =	vld [tilespmem:$0x8260];
	v55 =	vmul.f32 v4, v3;
	v6 =	vmul.f32 v53, v2  }
0x7b: {  	v54 =	vmul.f32 v51, v50  }
0x7c: {  	v62 =	vmul.f32 v57, v56;
	v7 =	vmul.f32 v55, v4;
	v6 =	vsub.f32 $1.500000000e+00, v6  }
0x7d: {  	v28 =	vmul.f32 v23, v20;
	v8 =	vshra.s32 v54, $0x1;
	v5 =	vmul.f32 $5.000000000e-01, v54  }
0x7e: {  	v8 =	vsub.s32 $0x5F3759DF, v8;
	v59 =	vsub.f32 $1.500000000e+00, v7;
	v2 =	vmul.f32 v6, v2  }
0x7f: {  	v11 =	vmul.f32 v29, v27;
	v58 =	vmul.f32 v8, v5  }
0x80: {  	v4 =	vmul.f32 v59, v4;
	v1 =	vmul.f32 v2, v1  }
0x81: {  	v19 =	vshra.s32 v62, $0x1;
	v10 =	vmul.f32 $5.000000000e-01, v28;
	v60 =	vmul.f32 v8, v58  }
0x82: {  	v32 =	vshra.s32 v28, $0x1;
	v3 =	vmul.f32 v4, v3;
	v1 =	vmul.f32 v1, v2  }
0x83: {  	v17 =	vshra.s32 v11, $0x1;
	v11 =	vmul.f32 $5.000000000e-01, v11;
	v61 =	vsub.f32 $1.500000000e+00, v60  }
0x84: {  	v24 =	vld [tilespmem:$0x8250];
	v7 =	vmul.f32 $5.000000000e-01, v62;
	v3 =	vmul.f32 v3, v4;
	v1 =	vsub.f32 $1.500000000e+00, v1  }
0x85: {  	v31 =	vld [tilespmem:$0x81F0];
	v9 =	vsub.s32 $0x5F3759DF, v32;
	v6 =	vmul.f32 v8, v61;
	v8 =	vsub.s32 $0x5F3759DF, v19  }
0x86: {  	v22 =	vmul.f32 v8, v7;
	v1 =	vmul.f32 v1, v2;
	v2 =	vsub.f32 $1.500000000e+00, v3;
	v3 =	vld [tilespmem:$0x81D0]  }
0x87: {  	v33 =	vld [tilespmem:$0x8270];
	v40 =	vsub.s32 $0x5F3759DF, v17;
	v35 =	vmul.f32 v9, v10;
	v21 =	vmul.f32 v6, v5  }
0x88: {  	v17 =	vmul.f32 v40, v11;
	v13 =	vmul.f32 v8, v22  }
0x89: {  	v37 =	vmul.f32 v9, v35;
	v12 =	vmul.f32 v21, v6  }
0x8a: {  	v63 =	vld [tilespmem:$0x8100];
	v17 =	vmul.f32 v40, v17;
	v26 =	vsub.f32 $1.500000000e+00, v13  }
0x8b: {  	v18 =	vld [tilespmem:$0x8110];
	v25 =	vsub.f32 $1.500000000e+00, v12;
	v12 =	vsub.f32 $1.500000000e+00, v37;
	v3 =	vmul.f32 v24, v3  }
0x8c: {  	v30 =	vmul.f32 v8, v26;
	v8 =	vmul.f32 v33, v31  }
0x8d: {  	v9 =	vmul.f32 v9, v12;
	v36 =	vshra.s32 v3, $0x1;
	v3 =	vmul.f32 $5.000000000e-01, v3  }
0x8e: {  	v34 =	vmul.f32 v30, v7;
	v2 =	vmul.f32 v2, v4;
	v16 =	vsub.s32 $0x5F3759DF, v36  }
0x8f: {  	v1 =	vmul.f32 v1, v63;
	v38 =	vmul.f32 v16, v3  }
0x90: {  	v14 =	vmul.f32 v34, v30;
	v2 =	vmul.f32 v2, v18  }
0x91: {  	v18 =	vshra.s32 v8, $0x1;
	v8 =	vmul.f32 $5.000000000e-01, v8;
	v39 =	vmul.f32 v16, v38  }
0x92: {  	v4 =	vmul.f32 v25, v6;
	v42 =	vsub.s32 $0x5F3759DF, v18;
	v14 =	vsub.f32 $1.500000000e+00, v14  }
0x93: {  	v43 =	vmul.f32 v9, v10;
	v18 =	vmul.f32 v42, v8;
	v41 =	vsub.f32 $1.500000000e+00, v39  }
0x94: {  	v44 =	vsub.f32 $1.500000000e+00, v17;
	v5 =	vmul.f32 v4, v5;
	v6 =	vmul.f32 v14, v30  }
0x95: {  	v45 =	vmul.f32 v42, v18;
	v12 =	vmul.f32 v16, v41  }
0x96: {  	v0 =	vadd.f32 v1, v0;
	v14 =	vmul.f32 v40, v44;
	v16 =	vmul.f32 v43, v9  }
0x97: {  	v5 =	vmul.f32 v5, v4;
	v47 =	vsub.f32 $1.500000000e+00, v45;
	v46 =	vmul.f32 v12, v3  }
0x98: {  	v7 =	vmul.f32 v6, v7;
	v1 =	vmul.f32 v14, v11;
	v16 =	vsub.f32 $1.500000000e+00, v16  }
0x99: {  	v5 =	vsub.f32 $1.500000000e+00, v5;
	v13 =	vmul.f32 v42, v47;
	v48 =	vmul.f32 v46, v12  }
0x9a: {  	v49 =	vld [tilespmem:$0x8120];
	v0 =	vadd.f32 v2, v0;
	v1 =	vmul.f32 v1, v14;
	v9 =	vmul.f32 v16, v9  }
0x9b: {  	v4 =	vmul.f32 v5, v4;
	v51 =	vmul.f32 v13, v8;
	v50 =	vsub.f32 $1.500000000e+00, v48  }
0x9c: {  	v7 =	vmul.f32 v7, v6;
	v1 =	vsub.f32 $1.500000000e+00, v1;
	v2 =	vmul.f32 v9, v10  }
0x9d: {  	v53 =	vld [tilespmem:$0x8130];
	v54 =	vmul.f32 v51, v13;
	v52 =	vmul.f32 v50, v12  }
0x9e: {  	v7 =	vsub.f32 $1.500000000e+00, v7;
	v1 =	vmul.f32 v1, v14;
	v2 =	vmul.f32 v2, v9  }
0x9f: {  	v55 =	vld [tilespmem:$0x8140];
	v4 =	vmul.f32 v4, v49;
	v12 =	vsub.f32 $1.500000000e+00, v54;
	v3 =	vmul.f32 v52, v3  }
0xa0: {  	v6 =	vmul.f32 v7, v6;
	v56 =	vmul.f32 v1, v11;
	v2 =	vsub.f32 $1.500000000e+00, v2  }
0xa1: {  	v57 =	vmul.f32 v12, v13;
	v3 =	vmul.f32 v3, v52  }
0xa2: {  	v59 =	vld [tilespmem:$0x8150];
	v0 =	vadd.f32 v4, v0;
	v58 =	vmul.f32 v6, v53;
	v2 =	vmul.f32 v2, v9  }
0xa3: {  	v60 =	vmul.f32 v56, v1;
	v61 =	vmul.f32 v57, v8;
	v3 =	vsub.f32 $1.500000000e+00, v3  }
0xa4: {  	v62 =	vld [tilespmem:$0x8160];
	v0 =	vadd.f32 v58, v0;
	v2 =	vmul.f32 v2, v55  }
0xa5: {  	v6 =	vsub.f32 $1.500000000e+00, v60;
	v7 =	vmul.f32 v61, v57;
	v3 =	vmul.f32 v3, v52  }
0xa6: {  	v0 =	vadd.f32 v2, v0;
	v2 =	vld [tilespmem:$0x8170]  }
0xa7: {  	s20 =	sadd.s32 $0x1, s20;
	v1 =	vmul.f32 v6, v1;
	v63 =	vsub.f32 $1.500000000e+00, v7;
	v3 =	vmul.f32 v3, v59  }
0xa8: {  	p0 =	sne.s32 s20, $0x32  }
.Ltmp1:
0xa9: {  	v1 =	vmul.f32 v1, v62;
	v0 =	vadd.f32 v3, v0;
	v3 =	vmul.f32 v63, v57;
	(pc) =	sbr.rel @p0 .LBB2_2-.Ltmp1, $3  }
0xaa: {  	_ = 	snop  }
0xab: {  	v0 =	vadd.f32 v1, v0;
	v1 =	vmul.f32 v3, v2;
	_ =	sdelay $0x1  }
0xac: {  	v0 =	vadd.f32 v1, v0  }
0xad: {  	s19 =	sadd.s32 $0x1, s19  }
0xae: {  	p0 =	sne.s32 s19, s8  }
.Ltmp2:
0xaf: {  	[tilespmem:$0x8280] =	vst v0;
	(pc) =	sbr.rel @p0 .LBB2_1-.Ltmp2, $4  }
0xb0: {  	[hbm4b:s7+s3] =	stream.linear.scatter [tilespmem:s18], [sflag:$0x3], $0x10, $0x38;
	[tilespmem:$0x8300] =	vst v63  }
0xb1: {  	_ =	swait.ge [sflag:s9], $0x10  }
0xb2: {  	[sflag:s9] =	ssyncset.done $0x0  }
0xb3: {  	[sflag:s9] =	ssyncadd.s32 $0xFFFFFFF0  }
0xb4: {  	_ =	sfence.sel $0x180000  }
0xb5: {  	[bflag:$0x0] =	sbarrier.arrive $0xFFFF  }
0xb6: {  	p0 =	sne.s32 s2, $0x0;
	_ =	strace $0x90000047  }
0xb7: {  	s0 =	sadd.s32 @!p0 $0x100000, s0;
	[bflag:$0x2] =	sbarrier.arrive $0xFFFF  }
0xb8: {  	[sflag:s0] =	ssyncadd.tile.s32 @!p0 $0x1;
	_ =	shalt  }
.Lfunc_end2:
_tile_overlayer_lowered:
.L_overlay_start_2:
0xb9: {  	(tag) =	ssettag $0x2  }
0xba: {  	s0 =	rddreg [dreg:$0x0];
	s2 =	stileid.u32  }
0xbb: {  	s1 =	rddreg [dreg:$0x1];
	p0 =	sne.s32 s2, $0x0  }
0xbc: {  	s3 =	rddreg [dreg:$0x2];
	[bflag:$0x3] =	sbarrier.arrive $0xFFFF;
	s2 =	simm.s32 @!p0 $0x1C03  }
0xbd: {  	[timem:s3], [sflag:s2] =	dma.local @!p0 [hbm:s0], s1  }
0xbe: {  	s0 =	simm.s32 @!p0 $0x3  }
0xbf: {  	_ =	swait.ge @!p0 [sflag:s0], s1  }
0xc0: {  	s1 =	ssub.s32 @!p0 $0x0, s1;
	[sflag:s0] =	ssyncset.done @!p0 $0x0  }
0xc1: {  	[sflag:s0] =	ssyncadd.s32 @!p0 s1  }
0xc2: {  	[bflag:$0x3] =	sbarrier.arrive $0xFFFF  }
0xc3: {  	_ =	shalt  }

</sc_bundles>
